<compile_context>
chip_gen: v7x
topology: tpu7x:2x2x1
jax: 0.10.2.dev20260603
libtpu: 0.0.44.dev20260713+nightly
codegen_flags: <defaults>
</compile_context>

<pallas_src>
import functools

import jax
import jax.numpy as jnp
from jax import lax
from jax.experimental import pallas as pl
from jax.experimental.pallas import tpu as pltpu
from jax.experimental.pallas import tpu_sc as plsc

N = 10000
E = 320000
IN_DIM = 128
HIDDEN = 256
OUT_DIM = 128
HALF = IN_DIM // 2

NC = 2
NS = 16
NW = NC * NS
LANES = 128

NBD = 80
E_PAD_D = NW * NBD * LANES

NB = 158
E_PAD_A = NS * NB * LANES

N_PAD = 10240
ROWS_PER_TILE = N_PAD // NS
WB_CHUNK = 128
BLK = 1024

_mesh = plsc.VectorSubcoreMesh(
    core_axis_name="c", subcore_axis_name="s", num_cores=NC, num_subcores=NS
)


@functools.partial(
    pl.kernel,
    out_type=jax.ShapeDtypeStruct((NC, N_PAD), jnp.float32),
    mesh=_mesh,
    scratch_types=[
        pltpu.VMEM((NBD, LANES), jnp.int32),
        pltpu.VMEM((LANES,), jnp.float32),
        pltpu.VMEM((ROWS_PER_TILE,), jnp.float32),
        pltpu.VMEM_SHARED((N_PAD,), jnp.float32),
    ],
)
def _deg_kernel(dst_hbm, out_hbm, dst_v, ones_v, cbuf, cnt_acc):
    c = lax.axis_index("c")
    s = lax.axis_index("s")
    g = c * NS + s

    pltpu.sync_copy(dst_hbm.at[g], dst_v)

    def fill_ones(i, carry):
        ones_v[pl.ds(i * 16, 16)] = jnp.ones((16,), jnp.float32)
        return carry

    lax.fori_loop(0, LANES // 16, fill_ones, 0)

    def zero_cbuf(i, carry):
        cbuf[pl.ds(i * 16, 16)] = jnp.zeros((16,), jnp.float32)
        return carry

    lax.fori_loop(0, ROWS_PER_TILE // 16, zero_cbuf, 0)

    pltpu.sync_copy(cbuf, cnt_acc.at[pl.ds(s * ROWS_PER_TILE, ROWS_PER_TILE)])
    plsc.subcore_barrier()

    def count_batch(j, carry):
        pltpu.sync_copy(ones_v, cnt_acc.at[dst_v.at[j]], add=True)
        return carry

    lax.fori_loop(0, NBD, count_batch, 0)
    plsc.subcore_barrier()

    pltpu.sync_copy(cnt_acc.at[pl.ds(s * ROWS_PER_TILE, ROWS_PER_TILE)], cbuf)
    pltpu.sync_copy(cbuf, out_hbm.at[c, pl.ds(s * ROWS_PER_TILE, ROWS_PER_TILE)])


@functools.partial(
    pl.kernel,
    out_type=jax.ShapeDtypeStruct((NC, N_PAD, HALF), jnp.float32),
    mesh=_mesh,
    scratch_types=[
        pltpu.VMEM((NB, LANES), jnp.int32),
        pltpu.VMEM((NB, LANES), jnp.int32),
        pltpu.VMEM((LANES, HALF), jnp.float32),
        pltpu.VMEM((LANES, HALF), jnp.float32),
        pltpu.VMEM_SHARED((N_PAD, HALF), jnp.float32),
        pltpu.SemaphoreType.DMA,
        pltpu.SemaphoreType.DMA,
    ],
    compiler_params=pltpu.CompilerParams(use_tc_tiling_on_sc=False),
)
def _agg_kernel(u_hbm, src_hbm, dst_hbm, out_hbm, src_v, dst_v, bufa, bufb, acc, sema, semb):
    c = lax.axis_index("c")
    s = lax.axis_index("s")

    pltpu.sync_copy(src_hbm.at[s], src_v)
    pltpu.sync_copy(dst_hbm.at[s], dst_v)

    def zero_buf(i, carry):
        bufa[i // (HALF // 16), pl.ds((i % (HALF // 16)) * 16, 16)] = jnp.zeros(
            (16,), jnp.float32
        )
        return carry

    lax.fori_loop(0, LANES * HALF // 16, zero_buf, 0)
    base = s * ROWS_PER_TILE

    def zero_acc(k, carry):
        pltpu.sync_copy(bufa, acc.at[pl.ds(base + k * WB_CHUNK, WB_CHUNK)])
        return carry

    lax.fori_loop(0, ROWS_PER_TILE // WB_CHUNK, zero_acc, 0)
    plsc.subcore_barrier()

    uc = u_hbm.at[c]
    pltpu.async_copy(uc.at[src_v.at[0]], bufa, sema, priority=1)

    def body(jj, carry):
        j0 = 2 * jj
        j1 = j0 + 1
        pltpu.async_copy(uc.at[src_v.at[j1]], bufb, semb, priority=1)
        pltpu.make_async_copy(uc.at[src_v.at[j0]], bufa, sema).wait()
        pltpu.sync_copy(bufa, acc.at[dst_v.at[j0]], add=True)

        @pl.when(jj + 1 < NB // 2)
        def _():
            pltpu.async_copy(uc.at[src_v.at[j0 + 2]], bufa, sema, priority=1)

        pltpu.make_async_copy(uc.at[src_v.at[j1]], bufb, semb).wait()
        pltpu.sync_copy(bufb, acc.at[dst_v.at[j1]], add=True)
        return carry

    lax.fori_loop(0, NB // 2, body, 0)
    plsc.subcore_barrier()

    def writeback(k, carry):
        r0 = base + k * WB_CHUNK
        pltpu.sync_copy(acc.at[pl.ds(r0, WB_CHUNK)], bufa)
        pltpu.sync_copy(bufa, out_hbm.at[c, pl.ds(r0, WB_CHUNK)])
        return carry

    lax.fori_loop(0, ROWS_PER_TILE // WB_CHUNK, writeback, 0)


def _tc0_body(cnt_ref, x_ref, dinv_ref, u_ref):
    cnt = cnt_ref[...]
    deg = cnt[:, 0:1] + cnt[:, 1:2] + 1.0
    dinv = lax.rsqrt(deg)
    dinv_ref[...] = dinv
    u = x_ref[...] * dinv
    u_ref[0] = u[:, :HALF]
    u_ref[1] = u[:, HALF:]


def _tc1_body(s1_ref, u1_ref, dinv_ref, w1_ref, b1_ref, w2_ref, u2_ref):
    dinv = dinv_ref[...]
    su = jnp.concatenate([s1_ref[0] + u1_ref[0], s1_ref[1] + u1_ref[1]], axis=-1)
    p = su * dinv
    h = jnp.dot(p, w1_ref[...], preferred_element_type=jnp.float32) + b1_ref[...]
    h = jnp.maximum(h, 0.0)
    q = jnp.dot(h, w2_ref[...], preferred_element_type=jnp.float32)
    u2 = q * dinv
    u2_ref[0] = u2[:, :HALF]
    u2_ref[1] = u2[:, HALF:]


def _tc2_body(s2_ref, u2_ref, dinv_ref, b2_ref, wd_ref, bd_ref, emb_ref, recon_ref):
    su = jnp.concatenate([s2_ref[0] + u2_ref[0], s2_ref[1] + u2_ref[1]], axis=-1)
    emb = su * dinv_ref[...] + b2_ref[...]
    emb_ref[...] = emb
    recon_ref[...] = (
        jnp.dot(emb, wd_ref[...], preferred_element_type=jnp.float32) + bd_ref[...]
    )


def _row_spec(cols):
    return pl.BlockSpec((BLK, cols), lambda i: (i, 0))


def _split_spec():
    return pl.BlockSpec((NC, BLK, HALF), lambda i: (0, i, 0))


def _full_spec(shape):
    nd = len(shape)
    return pl.BlockSpec(shape, lambda i: (0,) * nd)


_split_shape = jax.ShapeDtypeStruct((NC, N_PAD, HALF), jnp.float32)

_tc0 = pl.pallas_call(
    _tc0_body,
    grid=(N_PAD // BLK,),
    in_specs=[_row_spec(NC), _row_spec(IN_DIM)],
    out_specs=[_row_spec(1), _split_spec()],
    out_shape=[jax.ShapeDtypeStruct((N_PAD, 1), jnp.float32), _split_shape],
)

_tc1 = pl.pallas_call(
    _tc1_body,
    grid=(N_PAD // BLK,),
    in_specs=[
        _split_spec(),
        _split_spec(),
        _row_spec(1),
        _full_spec((IN_DIM, HIDDEN)),
        _full_spec((1, HIDDEN)),
        _full_spec((HIDDEN, OUT_DIM)),
    ],
    out_specs=[_split_spec()],
    out_shape=[_split_shape],
)

_tc2 = pl.pallas_call(
    _tc2_body,
    grid=(N_PAD // BLK,),
    in_specs=[
        _split_spec(),
        _split_spec(),
        _row_spec(1),
        _full_spec((1, OUT_DIM)),
        _full_spec((OUT_DIM, IN_DIM)),
        _full_spec((1, IN_DIM)),
    ],
    out_specs=[_row_spec(OUT_DIM), _row_spec(IN_DIM)],
    out_shape=[
        jax.ShapeDtypeStruct((N_PAD, OUT_DIM), jnp.float32),
        jax.ShapeDtypeStruct((N_PAD, IN_DIM), jnp.float32),
    ],
)


def kernel(x, edge_index, W1, b1, W2, b2, Wd, bd):
    src = edge_index[0]
    dst = edge_index[1]
    padd = E_PAD_D - E
    dst3d = jnp.concatenate([dst, jnp.full((padd,), N, jnp.int32)]).reshape(
        NW, NBD, LANES
    )
    pada = E_PAD_A - E
    src3 = jnp.concatenate([src, jnp.full((pada,), N + 1, jnp.int32)]).reshape(
        NS, NB, LANES
    )
    dst3 = jnp.concatenate([dst, jnp.full((pada,), N, jnp.int32)]).reshape(
        NS, NB, LANES
    )
    x_pad = jnp.concatenate([x, jnp.zeros((N_PAD - N, IN_DIM), x.dtype)])

    cnt = _deg_kernel(dst3d)
    dinv, u1 = _tc0(cnt.T, x_pad)
    s1 = _agg_kernel(u1, src3, dst3)
    (u2,) = _tc1(s1, u1, dinv, W1, b1.reshape(1, HIDDEN), W2)
    s2 = _agg_kernel(u2, src3, dst3)
    emb_pad, recon_pad = _tc2(
        s2, u2, dinv, b2.reshape(1, OUT_DIM), Wd, bd.reshape(1, IN_DIM)
    )
    return emb_pad[:N], recon_pad[:N]

# --- scband reference (transcript-rebuilt; emitter-appended) ---
"""Pipeline reference for scband-zip-gcn-55387898250031 (READ-ONLY COPY).

The authoritative reference and input builder live on the scoring server;
editing this copy changes nothing except your own understanding.
"""

import jax, jax.numpy as jnp
import numpy as np

N = 10000
E = 320000
IN_DIM = 128
HIDDEN = 256
OUT_DIM = 128


def gcn_conv(x, edge_index, W, b):
    # PyG GCNConv: add self-loops, symmetric normalization D^-1/2 (A+I) D^-1/2, then aggregate x@W
    n = x.shape[0]
    loop = jnp.arange(n, dtype=edge_index.dtype)
    src = jnp.concatenate([edge_index[0], loop])
    dst = jnp.concatenate([edge_index[1], loop])
    deg = jnp.zeros((n,), x.dtype).at[dst].add(1.0)
    dinv = jnp.where(deg > 0, 1.0 / jnp.sqrt(deg), 0.0)
    norm = dinv[src] * dinv[dst]
    h = x @ W
    msg = h[src] * norm[:, None]
    out = jax.ops.segment_sum(msg, dst, num_segments=n)
    return out + b


def setup_inputs(seed: int = 0) -> dict:
    key = jax.random.key(seed)
    ks = jax.random.split(key, 8)
    x = jax.random.normal(ks[0], (N, IN_DIM), dtype=jnp.float32)
    edge_index = jax.random.randint(ks[1], (2, E), 0, N, dtype=jnp.int32)
    W1 = jax.random.normal(ks[2], (IN_DIM, HIDDEN), dtype=jnp.float32) * (1.0 / np.sqrt(IN_DIM))
    b1 = jnp.zeros((HIDDEN,), dtype=jnp.float32)
    W2 = jax.random.normal(ks[3], (HIDDEN, OUT_DIM), dtype=jnp.float32) * (1.0 / np.sqrt(HIDDEN))
    b2 = jnp.zeros((OUT_DIM,), dtype=jnp.float32)
    Wd = jax.random.normal(ks[4], (OUT_DIM, IN_DIM), dtype=jnp.float32) * (1.0 / np.sqrt(OUT_DIM))
    bd = jnp.zeros((IN_DIM,), dtype=jnp.float32)
    return {"x": x, "edge_index": edge_index, "W1": W1, "b1": b1, "W2": W2, "b2": b2, "Wd": Wd, "bd": bd}


def reference(x, edge_index, W1, b1, W2, b2, Wd, bd):
    h = jax.nn.relu(gcn_conv(x, edge_index, W1, b1))
    emb = gcn_conv(h, edge_index, W2, b2)
    recon = emb @ Wd + bd
    return (emb, recon)

if __name__ == "__main__":
    import jax
    _d = setup_inputs()
    print(jax.jit(kernel)(*tuple(_d.values())))

</pallas_src>

<mosaic_0001>
#map = affine_map<(d0, d1) -> (0, 0, 0)>
module attributes {stable_mosaic.version = 14 : i64} {
  func.func @_agg_kernel(%arg0: i32, %arg1: i32, %arg2: memref<2x10240x64xf32, #tpu.memory_space<hbm>>, %arg3: memref<16x158x128xi32, #tpu.memory_space<hbm>>, %arg4: memref<16x158x128xi32, #tpu.memory_space<hbm>>, %arg5: memref<2x10240x64xf32, #tpu.memory_space<hbm>>, %arg6: memref<158x128xi32, #tpu.memory_space<vmem>>, %arg7: memref<158x128xi32, #tpu.memory_space<vmem>>, %arg8: memref<128x64xf32, #tpu.memory_space<vmem>>, %arg9: memref<128x64xf32, #tpu.memory_space<vmem>>, %arg10: memref<10240x64xf32, #tpu.memory_space<vmem_shared>>, %arg11: memref<!tpu.dma_semaphore, #tpu.memory_space<semaphore_mem>>, %arg12: memref<!tpu.dma_semaphore, #tpu.memory_space<semaphore_mem>>) attributes {dimension_semantics = [#tpu.dimension_semantics<core_parallel>, #tpu.dimension_semantics<subcore_parallel>], iteration_bounds = array<i64: 2, 16>, scalar_prefetch = 0 : i64, scratch_operands = 7 : i64, tpu.core_type = #tpu.core_type<sc_vector_subcore>, window_params = [{transform_indices = #map}, {transform_indices = #map}, {transform_indices = #map}, {transform_indices = #map}]} {
    "tpu.region"() ({
      %run_scoped3A = tpu.sem_alloc : memref<!tpu.dma_semaphore, #tpu.memory_space<semaphore_mem>>
      %dma_start3A_35 = arith.constant 0 : i32
      %dma_start3A_36 = arith.constant 0 : i32
      %dma_start3A_37 = tpu.memref_slice %arg3[%arg1, %dma_start3A_35, %dma_start3A_36] : memref<16x158x128xi32, #tpu.memory_space<hbm>> -> memref<1x158x128xi32, #tpu.memory_space<hbm>>
      %dma_start3A_38 = tpu.memref_squeeze %dma_start3A_37 : memref<1x158x128xi32, #tpu.memory_space<hbm>> -> memref<158x128xi32, #tpu.memory_space<hbm>>
      %dma_start3A_39 = arith.constant 0 : i32
      %dma_start3A_40 = arith.constant 0 : i32
      %dma_start3A_41 = tpu.memref_slice %arg3[%arg1, %dma_start3A_39, %dma_start3A_40] : memref<16x158x128xi32, #tpu.memory_space<hbm>> -> memref<1x158x128xi32, #tpu.memory_space<hbm>>
      %dma_start3A_42 = tpu.memref_squeeze %dma_start3A_41 : memref<1x158x128xi32, #tpu.memory_space<hbm>> -> memref<158x128xi32, #tpu.memory_space<hbm>>
      tpu.enqueue_dma source(%dma_start3A_42 : memref<158x128xi32, #tpu.memory_space<hbm>>) target(%arg6 : memref<158x128xi32, #tpu.memory_space<vmem>>) target_semaphore(%run_scoped3A : memref<!tpu.dma_semaphore, #tpu.memory_space<semaphore_mem>>)
      %dma_wait3A = arith.constant 0 : i32
      %dma_wait3A_43 = arith.constant 0 : i32
      %dma_wait3A_44 = tpu.memref_slice %arg3[%arg1, %dma_wait3A, %dma_wait3A_43] : memref<16x158x128xi32, #tpu.memory_space<hbm>> -> memref<1x158x128xi32, #tpu.memory_space<hbm>>
      %dma_wait3A_45 = tpu.memref_squeeze %dma_wait3A_44 : memref<1x158x128xi32, #tpu.memory_space<hbm>> -> memref<158x128xi32, #tpu.memory_space<hbm>>
      %dma_wait3A_46 = arith.constant 0 : i32
      %dma_wait3A_47 = arith.constant 0 : i32
      %dma_wait3A_48 = tpu.memref_slice %arg3[%arg1, %dma_wait3A_46, %dma_wait3A_47] : memref<16x158x128xi32, #tpu.memory_space<hbm>> -> memref<1x158x128xi32, #tpu.memory_space<hbm>>
      %dma_wait3A_49 = tpu.memref_squeeze %dma_wait3A_48 : memref<1x158x128xi32, #tpu.memory_space<hbm>> -> memref<158x128xi32, #tpu.memory_space<hbm>>
      tpu.wait_dma2 semaphore(%run_scoped3A : memref<!tpu.dma_semaphore, #tpu.memory_space<semaphore_mem>>) src(%dma_wait3A_49 : memref<158x128xi32, #tpu.memory_space<hbm>>) dst(%arg6 : memref<158x128xi32, #tpu.memory_space<vmem>>)
      tpu.yield
    }) : () -> ()
    "tpu.region"() ({
      %run_scoped3A = tpu.sem_alloc : memref<!tpu.dma_semaphore, #tpu.memory_space<semaphore_mem>>
      %dma_start3A_35 = arith.constant 0 : i32
      %dma_start3A_36 = arith.constant 0 : i32
      %dma_start3A_37 = tpu.memref_slice %arg4[%arg1, %dma_start3A_35, %dma_start3A_36] : memref<16x158x128xi32, #tpu.memory_space<hbm>> -> memref<1x158x128xi32, #tpu.memory_space<hbm>>
      %dma_start3A_38 = tpu.memref_squeeze %dma_start3A_37 : memref<1x158x128xi32, #tpu.memory_space<hbm>> -> memref<158x128xi32, #tpu.memory_space<hbm>>
      %dma_start3A_39 = arith.constant 0 : i32
      %dma_start3A_40 = arith.constant 0 : i32
      %dma_start3A_41 = tpu.memref_slice %arg4[%arg1, %dma_start3A_39, %dma_start3A_40] : memref<16x158x128xi32, #tpu.memory_space<hbm>> -> memref<1x158x128xi32, #tpu.memory_space<hbm>>
      %dma_start3A_42 = tpu.memref_squeeze %dma_start3A_41 : memref<1x158x128xi32, #tpu.memory_space<hbm>> -> memref<158x128xi32, #tpu.memory_space<hbm>>
      tpu.enqueue_dma source(%dma_start3A_42 : memref<158x128xi32, #tpu.memory_space<hbm>>) target(%arg7 : memref<158x128xi32, #tpu.memory_space<vmem>>) target_semaphore(%run_scoped3A : memref<!tpu.dma_semaphore, #tpu.memory_space<semaphore_mem>>)
      %dma_wait3A = arith.constant 0 : i32
      %dma_wait3A_43 = arith.constant 0 : i32
      %dma_wait3A_44 = tpu.memref_slice %arg4[%arg1, %dma_wait3A, %dma_wait3A_43] : memref<16x158x128xi32, #tpu.memory_space<hbm>> -> memref<1x158x128xi32, #tpu.memory_space<hbm>>
      %dma_wait3A_45 = tpu.memref_squeeze %dma_wait3A_44 : memref<1x158x128xi32, #tpu.memory_space<hbm>> -> memref<158x128xi32, #tpu.memory_space<hbm>>
      %dma_wait3A_46 = arith.constant 0 : i32
      %dma_wait3A_47 = arith.constant 0 : i32
      %dma_wait3A_48 = tpu.memref_slice %arg4[%arg1, %dma_wait3A_46, %dma_wait3A_47] : memref<16x158x128xi32, #tpu.memory_space<hbm>> -> memref<1x158x128xi32, #tpu.memory_space<hbm>>
      %dma_wait3A_49 = tpu.memref_squeeze %dma_wait3A_48 : memref<1x158x128xi32, #tpu.memory_space<hbm>> -> memref<158x128xi32, #tpu.memory_space<hbm>>
      tpu.wait_dma2 semaphore(%run_scoped3A : memref<!tpu.dma_semaphore, #tpu.memory_space<semaphore_mem>>) src(%dma_wait3A_49 : memref<158x128xi32, #tpu.memory_space<hbm>>) dst(%arg7 : memref<158x128xi32, #tpu.memory_space<vmem>>)
      tpu.yield
    }) : () -> ()
    %scan3A = arith.constant 0 : i32
    %scan3A_0 = arith.constant 0 : i32
    %scan3A_1 = arith.constant 512 : i32
    %scan3A_2 = arith.addi %scan3A_0, %scan3A_1 : i32
    %scan3A_3 = arith.constant 1 : i32
    scf.for %scan3A_35 = %scan3A_0 to %scan3A_2 step %scan3A_3  : i32 {
      %broadcast_in_dim3A = arith.constant 0.000000e+00 : f32
      %broadcast_in_dim3A_36 = vector.broadcast %broadcast_in_dim3A : f32 to vector<16xf32>
      %jit3A = arith.constant 4 : i32
      %div3A = arith.divsi %scan3A_35, %jit3A : i32
      %sign3A = arith.constant 0 : i32
      %sign3A_37 = arith.cmpi sgt, %scan3A_35, %sign3A : i32
      %sign3A_38 = arith.extui %sign3A_37 : i1 to i32
      %sign3A_39 = arith.constant 0 : i32
      %sign3A_40 = arith.cmpi slt, %scan3A_35, %sign3A_39 : i32
      %sign3A_41 = arith.extui %sign3A_40 : i1 to i32
      %sign3A_42 = arith.subi %sign3A_38, %sign3A_41 : i32
      %sign3A_43 = arith.constant 0 : i32
      %sign3A_44 = arith.cmpi sgt, %jit3A, %sign3A_43 : i32
      %sign3A_45 = arith.extui %sign3A_44 : i1 to i32
      %sign3A_46 = arith.constant 0 : i32
      %sign3A_47 = arith.cmpi slt, %jit3A, %sign3A_46 : i32
      %sign3A_48 = arith.extui %sign3A_47 : i1 to i32
      %sign3A_49 = arith.subi %sign3A_45, %sign3A_48 : i32
      %ne3A = arith.cmpi ne, %sign3A_42, %sign3A_49 : i32
      %rem3A = arith.remsi %scan3A_35, %jit3A : i32
      %ne3A_50 = arith.constant 0 : i32
      %ne3A_51 = arith.cmpi ne, %rem3A, %ne3A_50 : i32
      %and3A = arith.andi %ne3A, %ne3A_51 : i1
      %sub3A = arith.constant 1 : i32
      %sub3A_52 = arith.subi %div3A, %sub3A : i32
      %select_n3A = arith.select %and3A, %sub3A_52, %div3A : i32
      %jit3A_53 = arith.constant 4 : i32
      %eq3A = arith.constant 0 : i32
      %eq3A_54 = arith.cmpi eq, %jit3A_53, %eq3A : i32
      %jit3A_55 = arith.constant 1 : i32
      %select_n3A_56 = arith.select %eq3A_54, %jit3A_55, %jit3A_53 : i32
      %rem3A_57 = arith.remsi %scan3A_35, %select_n3A_56 : i32
      %ne3A_58 = arith.constant 0 : i32
      %ne3A_59 = arith.cmpi ne, %rem3A_57, %ne3A_58 : i32
      %lt3A = arith.constant 0 : i32
      %lt3A_60 = arith.cmpi slt, %rem3A_57, %lt3A : i32
      %lt3A_61 = arith.constant 0 : i32
      %lt3A_62 = arith.cmpi slt, %select_n3A_56, %lt3A_61 : i32
      %ne3A_63 = arith.xori %lt3A_60, %lt3A_62 : i1
      %and3A_64 = arith.andi %ne3A_63, %ne3A_59 : i1
      %add3A = arith.addi %rem3A_57, %select_n3A_56 : i32
      %select_n3A_65 = arith.select %and3A_64, %add3A, %rem3A_57 : i32
      %mul3A_66 = arith.constant 16 : i32
      %mul3A_67 = arith.muli %select_n3A_65, %mul3A_66 : i32
      %swap3A = arith.index_cast %select_n3A : i32 to index
      %swap3A_68 = arith.index_cast %mul3A_67 : i32 to index
      %swap3A_69 = tpu.vector_load %arg8[%swap3A, %swap3A_68] {strides = array<i32>} : memref<128x64xf32, #tpu.memory_space<vmem>>, vector<1x16xf32>,
      %swap3A_70 = vector.shape_cast %swap3A_69 : vector<1x16xf32> to vector<16xf32>
      %swap3A_71 = vector.shape_cast %broadcast_in_dim3A_36 : vector<16xf32> to vector<1x16xf32>
      tpu.vector_store %arg8[%swap3A, %swap3A_68], %swap3A_71 {strides = array<i32>} : memref<128x64xf32, #tpu.memory_space<vmem>>, vector<1x16xf32>,
    }
    %scan3A_4 = arith.constant 512 : i32
    %mul3A = arith.constant 640 : i32
    %mul3A_5 = arith.muli %arg1, %mul3A : i32
    %scan3A_6 = arith.constant 0 : i32
    %scan3A_7 = arith.constant 0 : i32
    %scan3A_8 = arith.constant 5 : i32
    %scan3A_9 = arith.addi %scan3A_7, %scan3A_8 : i32
    %scan3A_10 = arith.constant 1 : i32
    scf.for %scan3A_35 = %scan3A_7 to %scan3A_9 step %scan3A_10  : i32 {
      %mul3A_36 = arith.constant 128 : i32
      %mul3A_37 = arith.muli %scan3A_35, %mul3A_36 : i32
      %add3A = arith.addi %mul3A_5, %mul3A_37 : i32
      "tpu.region"() ({
        %run_scoped3A = tpu.sem_alloc : memref<!tpu.dma_semaphore, #tpu.memory_space<semaphore_mem>>
        %dma_start3A_38 = arith.constant 0 : i32
        %dma_start3A_39 = tpu.memref_slice %arg10[%add3A, %dma_start3A_38] : memref<10240x64xf32, #tpu.memory_space<vmem_shared>> -> memref<128x64xf32, #tpu.memory_space<vmem_shared>>
        %dma_start3A_40 = arith.constant 0 : i32
        %dma_start3A_41 = tpu.memref_slice %arg10[%add3A, %dma_start3A_40] : memref<10240x64xf32, #tpu.memory_space<vmem_shared>> -> memref<128x64xf32, #tpu.memory_space<vmem_shared>>
        tpu.enqueue_dma source(%arg8 : memref<128x64xf32, #tpu.memory_space<vmem>>) target(%dma_start3A_41 : memref<128x64xf32, #tpu.memory_space<vmem_shared>>) target_semaphore(%run_scoped3A : memref<!tpu.dma_semaphore, #tpu.memory_space<semaphore_mem>>)
        %dma_wait3A = arith.constant 0 : i32
        %dma_wait3A_42 = tpu.memref_slice %arg10[%add3A, %dma_wait3A] : memref<10240x64xf32, #tpu.memory_space<vmem_shared>> -> memref<128x64xf32, #tpu.memory_space<vmem_shared>>
        %dma_wait3A_43 = arith.constant 0 : i32
        %dma_wait3A_44 = tpu.memref_slice %arg10[%add3A, %dma_wait3A_43] : memref<10240x64xf32, #tpu.memory_space<vmem_shared>> -> memref<128x64xf32, #tpu.memory_space<vmem_shared>>
        tpu.wait_dma2 semaphore(%run_scoped3A : memref<!tpu.dma_semaphore, #tpu.memory_space<semaphore_mem>>) src(%arg8 : memref<128x64xf32, #tpu.memory_space<vmem>>) dst(%dma_wait3A_44 : memref<128x64xf32, #tpu.memory_space<vmem_shared>>)
        tpu.yield
      }) : () -> ()
    }
    %scan3A_11 = arith.constant 5 : i32
    %barrier3A = arith.constant 0 : index
    tpu.barrier barrier_id(%barrier3A)
    %dma_start3A = arith.constant 0 : i32
    %dma_start3A_12 = arith.constant 0 : i32
    %dma_start3A_13 = tpu.memref_slice %arg6[%dma_start3A, %dma_start3A_12] : memref<158x128xi32, #tpu.memory_space<vmem>> -> memref<1x128xi32, #tpu.memory_space<vmem>>
    %dma_start3A_14 = tpu.memref_squeeze %dma_start3A_13 : memref<1x128xi32, #tpu.memory_space<vmem>> -> memref<128xi32, #tpu.memory_space<vmem>>
    %dma_start3A_15 = arith.constant 0 : i32
    %dma_start3A_16 = arith.constant 0 : i32
    %dma_start3A_17 = tpu.memref_slice %arg2[%arg0, %dma_start3A_15, %dma_start3A_16] : memref<2x10240x64xf32, #tpu.memory_space<hbm>> -> memref<1x10240x64xf32, #tpu.memory_space<hbm>>
    %dma_start3A_18 = tpu.memref_squeeze %dma_start3A_17 : memref<1x10240x64xf32, #tpu.memory_space<hbm>> -> memref<10240x64xf32, #tpu.memory_space<hbm>>
    %dma_start3A_19 = arith.constant 0 : i32
    %dma_start3A_20 = arith.constant 0 : i32
    %dma_start3A_21 = tpu.memref_slice %dma_start3A_18[%dma_start3A_19, %dma_start3A_20] : memref<10240x64xf32, #tpu.memory_space<hbm>> -> memref<10240x64xf32, #tpu.memory_space<hbm>>
    tpu.enqueue_indirect_dma source(%dma_start3A_21 : memref<10240x64xf32, #tpu.memory_space<hbm>>) target(%arg8 : memref<128x64xf32, #tpu.memory_space<vmem>>) offsets(%dma_start3A_14 : memref<128xi32, #tpu.memory_space<vmem>>) semaphore(%arg11 : memref<!tpu.dma_semaphore, #tpu.memory_space<semaphore_mem>>)
    %scan3A_22 = arith.constant 0 : i32
    %scan3A_23 = arith.constant 0 : i32
    %scan3A_24 = arith.constant 79 : i32
    %scan3A_25 = arith.addi %scan3A_23, %scan3A_24 : i32
    %scan3A_26 = arith.constant 1 : i32
    scf.for %scan3A_35 = %scan3A_23 to %scan3A_25 step %scan3A_26  : i32 {
      %mul3A_36 = arith.constant 2 : i32
      %mul3A_37 = arith.muli %mul3A_36, %scan3A_35 : i32
      %add3A = arith.constant 1 : i32
      %add3A_38 = arith.addi %mul3A_37, %add3A : i32
      %dma_start3A_39 = arith.constant 0 : i32
      %dma_start3A_40 = tpu.memref_slice %arg6[%add3A_38, %dma_start3A_39] : memref<158x128xi32, #tpu.memory_space<vmem>> -> memref<1x128xi32, #tpu.memory_space<vmem>>
      %dma_start3A_41 = tpu.memref_squeeze %dma_start3A_40 : memref<1x128xi32, #tpu.memory_space<vmem>> -> memref<128xi32, #tpu.memory_space<vmem>>
      %dma_start3A_42 = arith.constant 0 : i32
      %dma_start3A_43 = arith.constant 0 : i32
      %dma_start3A_44 = tpu.memref_slice %arg2[%arg0, %dma_start3A_42, %dma_start3A_43] : memref<2x10240x64xf32, #tpu.memory_space<hbm>> -> memref<1x10240x64xf32, #tpu.memory_space<hbm>>
      %dma_start3A_45 = tpu.memref_squeeze %dma_start3A_44 : memref<1x10240x64xf32, #tpu.memory_space<hbm>> -> memref<10240x64xf32, #tpu.memory_space<hbm>>
      %dma_start3A_46 = arith.constant 0 : i32
      %dma_start3A_47 = arith.constant 0 : i32
      %dma_start3A_48 = tpu.memref_slice %dma_start3A_45[%dma_start3A_46, %dma_start3A_47] : memref<10240x64xf32, #tpu.memory_space<hbm>> -> memref<10240x64xf32, #tpu.memory_space<hbm>>
      tpu.enqueue_indirect_dma source(%dma_start3A_48 : memref<10240x64xf32, #tpu.memory_space<hbm>>) target(%arg9 : memref<128x64xf32, #tpu.memory_space<vmem>>) offsets(%dma_start3A_41 : memref<128xi32, #tpu.memory_space<vmem>>) semaphore(%arg12 : memref<!tpu.dma_semaphore, #tpu.memory_space<semaphore_mem>>)
      %dma_wait3A = arith.constant 0 : i32
      %dma_wait3A_49 = tpu.memref_slice %arg6[%mul3A_37, %dma_wait3A] : memref<158x128xi32, #tpu.memory_space<vmem>> -> memref<1x128xi32, #tpu.memory_space<vmem>>
      %dma_wait3A_50 = tpu.memref_squeeze %dma_wait3A_49 : memref<1x128xi32, #tpu.memory_space<vmem>> -> memref<128xi32, #tpu.memory_space<vmem>>
      %dma_wait3A_51 = arith.constant 0 : i32
      %dma_wait3A_52 = arith.constant 0 : i32
      %dma_wait3A_53 = tpu.memref_slice %arg2[%arg0, %dma_wait3A_51, %dma_wait3A_52] : memref<2x10240x64xf32, #tpu.memory_space<hbm>> -> memref<1x10240x64xf32, #tpu.memory_space<hbm>>
      %dma_wait3A_54 = tpu.memref_squeeze %dma_wait3A_53 : memref<1x10240x64xf32, #tpu.memory_space<hbm>> -> memref<10240x64xf32, #tpu.memory_space<hbm>>
      %dma_wait3A_55 = arith.constant 0 : i32
      %dma_wait3A_56 = arith.constant 0 : i32
      %dma_wait3A_57 = tpu.memref_slice %dma_wait3A_54[%dma_wait3A_55, %dma_wait3A_56] : memref<10240x64xf32, #tpu.memory_space<hbm>> -> memref<10240x64xf32, #tpu.memory_space<hbm>>
      tpu.wait_indirect_dma semaphore(%arg11 : memref<!tpu.dma_semaphore, #tpu.memory_space<semaphore_mem>>) src(%dma_wait3A_57 : memref<10240x64xf32, #tpu.memory_space<hbm>>) dst(%arg8 : memref<128x64xf32, #tpu.memory_space<vmem>>)
      "tpu.region"() ({
        %run_scoped3A = tpu.sem_alloc : memref<!tpu.dma_semaphore, #tpu.memory_space<semaphore_mem>>
        %dma_start3A_72 = arith.constant 0 : i32
        %dma_start3A_73 = tpu.memref_slice %arg7[%mul3A_37, %dma_start3A_72] : memref<158x128xi32, #tpu.memory_space<vmem>> -> memref<1x128xi32, #tpu.memory_space<vmem>>
        %dma_start3A_74 = tpu.memref_squeeze %dma_start3A_73 : memref<1x128xi32, #tpu.memory_space<vmem>> -> memref<128xi32, #tpu.memory_space<vmem>>
        %dma_start3A_75 = arith.constant 0 : i32
        %dma_start3A_76 = arith.constant 0 : i32
        %dma_start3A_77 = tpu.memref_slice %arg10[%dma_start3A_75, %dma_start3A_76] : memref<10240x64xf32, #tpu.memory_space<vmem_shared>> -> memref<10240x64xf32, #tpu.memory_space<vmem_shared>>
        tpu.enqueue_indirect_dma source(%arg8 : memref<128x64xf32, #tpu.memory_space<vmem>>) target(%dma_start3A_77 : memref<10240x64xf32, #tpu.memory_space<vmem_shared>>) offsets(%dma_start3A_74 : memref<128xi32, #tpu.memory_space<vmem>>) semaphore(%run_scoped3A : memref<!tpu.dma_semaphore, #tpu.memory_space<semaphore_mem>>) {add = true}
        %dma_wait3A_78 = arith.constant 0 : i32
        %dma_wait3A_79 = tpu.memref_slice %arg7[%mul3A_37, %dma_wait3A_78] : memref<158x128xi32, #tpu.memory_space<vmem>> -> memref<1x128xi32, #tpu.memory_space<vmem>>
        %dma_wait3A_80 = tpu.memref_squeeze %dma_wait3A_79 : memref<1x128xi32, #tpu.memory_space<vmem>> -> memref<128xi32, #tpu.memory_space<vmem>>
        %dma_wait3A_81 = arith.constant 0 : i32
        %dma_wait3A_82 = arith.constant 0 : i32
        %dma_wait3A_83 = tpu.memref_slice %arg10[%dma_wait3A_81, %dma_wait3A_82] : memref<10240x64xf32, #tpu.memory_space<vmem_shared>> -> memref<10240x64xf32, #tpu.memory_space<vmem_shared>>
        tpu.wait_indirect_dma semaphore(%run_scoped3A : memref<!tpu.dma_semaphore, #tpu.memory_space<semaphore_mem>>) src(%arg8 : memref<128x64xf32, #tpu.memory_space<vmem>>) dst(%dma_wait3A_83 : memref<10240x64xf32, #tpu.memory_space<vmem_shared>>)
        tpu.yield
      }) : () -> ()
      %add3A_58 = arith.constant 1 : i32
      %add3A_59 = arith.addi %scan3A_35, %add3A_58 : i32
      %lt3A = arith.constant 79 : i32
      %lt3A_60 = arith.cmpi slt, %add3A_59, %lt3A : i32
      %convert_element_type3A = arith.extui %lt3A_60 : i1 to i32
      %cond3A = arith.constant 0 : i32
      %cond3A_61 = arith.cmpi ne, %convert_element_type3A, %cond3A : i32
      scf.if %cond3A_61 {
        %add3A_72 = arith.constant 2 : i32
        %add3A_73 = arith.addi %mul3A_37, %add3A_72 : i32
        %dma_start3A_74 = arith.constant 0 : i32
        %dma_start3A_75 = tpu.memref_slice %arg6[%add3A_73, %dma_start3A_74] : memref<158x128xi32, #tpu.memory_space<vmem>> -> memref<1x128xi32, #tpu.memory_space<vmem>>
        %dma_start3A_76 = tpu.memref_squeeze %dma_start3A_75 : memref<1x128xi32, #tpu.memory_space<vmem>> -> memref<128xi32, #tpu.memory_space<vmem>>
        %dma_start3A_77 = arith.constant 0 : i32
        %dma_start3A_78 = arith.constant 0 : i32
        %dma_start3A_79 = tpu.memref_slice %arg2[%arg0, %dma_start3A_77, %dma_start3A_78] : memref<2x10240x64xf32, #tpu.memory_space<hbm>> -> memref<1x10240x64xf32, #tpu.memory_space<hbm>>
        %dma_start3A_80 = tpu.memref_squeeze %dma_start3A_79 : memref<1x10240x64xf32, #tpu.memory_space<hbm>> -> memref<10240x64xf32, #tpu.memory_space<hbm>>
        %dma_start3A_81 = arith.constant 0 : i32
        %dma_start3A_82 = arith.constant 0 : i32
        %dma_start3A_83 = tpu.memref_slice %dma_start3A_80[%dma_start3A_81, %dma_start3A_82] : memref<10240x64xf32, #tpu.memory_space<hbm>> -> memref<10240x64xf32, #tpu.memory_space<hbm>>
        tpu.enqueue_indirect_dma source(%dma_start3A_83 : memref<10240x64xf32, #tpu.memory_space<hbm>>) target(%arg8 : memref<128x64xf32, #tpu.memory_space<vmem>>) offsets(%dma_start3A_76 : memref<128xi32, #tpu.memory_space<vmem>>) semaphore(%arg11 : memref<!tpu.dma_semaphore, #tpu.memory_space<semaphore_mem>>)
      } else {
      }
      %dma_wait3A_62 = arith.constant 0 : i32
      %dma_wait3A_63 = tpu.memref_slice %arg6[%add3A_38, %dma_wait3A_62] : memref<158x128xi32, #tpu.memory_space<vmem>> -> memref<1x128xi32, #tpu.memory_space<vmem>>
      %dma_wait3A_64 = tpu.memref_squeeze %dma_wait3A_63 : memref<1x128xi32, #tpu.memory_space<vmem>> -> memref<128xi32, #tpu.memory_space<vmem>>
      %dma_wait3A_65 = arith.constant 0 : i32
      %dma_wait3A_66 = arith.constant 0 : i32
      %dma_wait3A_67 = tpu.memref_slice %arg2[%arg0, %dma_wait3A_65, %dma_wait3A_66] : memref<2x10240x64xf32, #tpu.memory_space<hbm>> -> memref<1x10240x64xf32, #tpu.memory_space<hbm>>
      %dma_wait3A_68 = tpu.memref_squeeze %dma_wait3A_67 : memref<1x10240x64xf32, #tpu.memory_space<hbm>> -> memref<10240x64xf32, #tpu.memory_space<hbm>>
      %dma_wait3A_69 = arith.constant 0 : i32
      %dma_wait3A_70 = arith.constant 0 : i32
      %dma_wait3A_71 = tpu.memref_slice %dma_wait3A_68[%dma_wait3A_69, %dma_wait3A_70] : memref<10240x64xf32, #tpu.memory_space<hbm>> -> memref<10240x64xf32, #tpu.memory_space<hbm>>
      tpu.wait_indirect_dma semaphore(%arg12 : memref<!tpu.dma_semaphore, #tpu.memory_space<semaphore_mem>>) src(%dma_wait3A_71 : memref<10240x64xf32, #tpu.memory_space<hbm>>) dst(%arg9 : memref<128x64xf32, #tpu.memory_space<vmem>>)
      "tpu.region"() ({
        %run_scoped3A = tpu.sem_alloc : memref<!tpu.dma_semaphore, #tpu.memory_space<semaphore_mem>>
        %dma_start3A_72 = arith.constant 0 : i32
        %dma_start3A_73 = tpu.memref_slice %arg7[%add3A_38, %dma_start3A_72] : memref<158x128xi32, #tpu.memory_space<vmem>> -> memref<1x128xi32, #tpu.memory_space<vmem>>
        %dma_start3A_74 = tpu.memref_squeeze %dma_start3A_73 : memref<1x128xi32, #tpu.memory_space<vmem>> -> memref<128xi32, #tpu.memory_space<vmem>>
        %dma_start3A_75 = arith.constant 0 : i32
        %dma_start3A_76 = arith.constant 0 : i32
        %dma_start3A_77 = tpu.memref_slice %arg10[%dma_start3A_75, %dma_start3A_76] : memref<10240x64xf32, #tpu.memory_space<vmem_shared>> -> memref<10240x64xf32, #tpu.memory_space<vmem_shared>>
        tpu.enqueue_indirect_dma source(%arg9 : memref<128x64xf32, #tpu.memory_space<vmem>>) target(%dma_start3A_77 : memref<10240x64xf32, #tpu.memory_space<vmem_shared>>) offsets(%dma_start3A_74 : memref<128xi32, #tpu.memory_space<vmem>>) semaphore(%run_scoped3A : memref<!tpu.dma_semaphore, #tpu.memory_space<semaphore_mem>>) {add = true}
        %dma_wait3A_78 = arith.constant 0 : i32
        %dma_wait3A_79 = tpu.memref_slice %arg7[%add3A_38, %dma_wait3A_78] : memref<158x128xi32, #tpu.memory_space<vmem>> -> memref<1x128xi32, #tpu.memory_space<vmem>>
        %dma_wait3A_80 = tpu.memref_squeeze %dma_wait3A_79 : memref<1x128xi32, #tpu.memory_space<vmem>> -> memref<128xi32, #tpu.memory_space<vmem>>
        %dma_wait3A_81 = arith.constant 0 : i32
        %dma_wait3A_82 = arith.constant 0 : i32
        %dma_wait3A_83 = tpu.memref_slice %arg10[%dma_wait3A_81, %dma_wait3A_82] : memref<10240x64xf32, #tpu.memory_space<vmem_shared>> -> memref<10240x64xf32, #tpu.memory_space<vmem_shared>>
        tpu.wait_indirect_dma semaphore(%run_scoped3A : memref<!tpu.dma_semaphore, #tpu.memory_space<semaphore_mem>>) src(%arg9 : memref<128x64xf32, #tpu.memory_space<vmem>>) dst(%dma_wait3A_83 : memref<10240x64xf32, #tpu.memory_space<vmem_shared>>)
        tpu.yield
      }) : () -> ()
    }
    %scan3A_27 = arith.constant 79 : i32
    %barrier3A_28 = arith.constant 0 : index
    tpu.barrier barrier_id(%barrier3A_28)
    %scan3A_29 = arith.constant 0 : i32
    %scan3A_30 = arith.constant 0 : i32
    %scan3A_31 = arith.constant 5 : i32
    %scan3A_32 = arith.addi %scan3A_30, %scan3A_31 : i32
    %scan3A_33 = arith.constant 1 : i32
    scf.for %scan3A_35 = %scan3A_30 to %scan3A_32 step %scan3A_33  : i32 {
      %mul3A_36 = arith.constant 128 : i32
      %mul3A_37 = arith.muli %scan3A_35, %mul3A_36 : i32
      %add3A = arith.addi %mul3A_5, %mul3A_37 : i32
      "tpu.region"() ({
        %run_scoped3A = tpu.sem_alloc : memref<!tpu.dma_semaphore, #tpu.memory_space<semaphore_mem>>
        %dma_start3A_38 = arith.constant 0 : i32
        %dma_start3A_39 = tpu.memref_slice %arg10[%add3A, %dma_start3A_38] : memref<10240x64xf32, #tpu.memory_space<vmem_shared>> -> memref<128x64xf32, #tpu.memory_space<vmem_shared>>
        %dma_start3A_40 = arith.constant 0 : i32
        %dma_start3A_41 = tpu.memref_slice %arg10[%add3A, %dma_start3A_40] : memref<10240x64xf32, #tpu.memory_space<vmem_shared>> -> memref<128x64xf32, #tpu.memory_space<vmem_shared>>
        tpu.enqueue_dma source(%dma_start3A_41 : memref<128x64xf32, #tpu.memory_space<vmem_shared>>) target(%arg8 : memref<128x64xf32, #tpu.memory_space<vmem>>) target_semaphore(%run_scoped3A : memref<!tpu.dma_semaphore, #tpu.memory_space<semaphore_mem>>)
        %dma_wait3A = arith.constant 0 : i32
        %dma_wait3A_42 = tpu.memref_slice %arg10[%add3A, %dma_wait3A] : memref<10240x64xf32, #tpu.memory_space<vmem_shared>> -> memref<128x64xf32, #tpu.memory_space<vmem_shared>>
        %dma_wait3A_43 = arith.constant 0 : i32
        %dma_wait3A_44 = tpu.memref_slice %arg10[%add3A, %dma_wait3A_43] : memref<10240x64xf32, #tpu.memory_space<vmem_shared>> -> memref<128x64xf32, #tpu.memory_space<vmem_shared>>
        tpu.wait_dma2 semaphore(%run_scoped3A : memref<!tpu.dma_semaphore, #tpu.memory_space<semaphore_mem>>) src(%dma_wait3A_44 : memref<128x64xf32, #tpu.memory_space<vmem_shared>>) dst(%arg8 : memref<128x64xf32, #tpu.memory_space<vmem>>)
        tpu.yield
      }) : () -> ()
      "tpu.region"() ({
        %run_scoped3A = tpu.sem_alloc : memref<!tpu.dma_semaphore, #tpu.memory_space<semaphore_mem>>
        %dma_start3A_38 = arith.constant 0 : i32
        %dma_start3A_39 = tpu.memref_slice %arg5[%arg0, %add3A, %dma_start3A_38] : memref<2x10240x64xf32, #tpu.memory_space<hbm>> -> memref<1x128x64xf32, #tpu.memory_space<hbm>>
        %dma_start3A_40 = tpu.memref_squeeze %dma_start3A_39 : memref<1x128x64xf32, #tpu.memory_space<hbm>> -> memref<128x64xf32, #tpu.memory_space<hbm>>
        %dma_start3A_41 = arith.constant 0 : i32
        %dma_start3A_42 = tpu.memref_slice %arg5[%arg0, %add3A, %dma_start3A_41] : memref<2x10240x64xf32, #tpu.memory_space<hbm>> -> memref<1x128x64xf32, #tpu.memory_space<hbm>>
        %dma_start3A_43 = tpu.memref_squeeze %dma_start3A_42 : memref<1x128x64xf32, #tpu.memory_space<hbm>> -> memref<128x64xf32, #tpu.memory_space<hbm>>
        tpu.enqueue_dma source(%arg8 : memref<128x64xf32, #tpu.memory_space<vmem>>) target(%dma_start3A_43 : memref<128x64xf32, #tpu.memory_space<hbm>>) target_semaphore(%run_scoped3A : memref<!tpu.dma_semaphore, #tpu.memory_space<semaphore_mem>>)
        %dma_wait3A = arith.constant 0 : i32
        %dma_wait3A_44 = tpu.memref_slice %arg5[%arg0, %add3A, %dma_wait3A] : memref<2x10240x64xf32, #tpu.memory_space<hbm>> -> memref<1x128x64xf32, #tpu.memory_space<hbm>>
        %dma_wait3A_45 = tpu.memref_squeeze %dma_wait3A_44 : memref<1x128x64xf32, #tpu.memory_space<hbm>> -> memref<128x64xf32, #tpu.memory_space<hbm>>
        %dma_wait3A_46 = arith.constant 0 : i32
        %dma_wait3A_47 = tpu.memref_slice %arg5[%arg0, %add3A, %dma_wait3A_46] : memref<2x10240x64xf32, #tpu.memory_space<hbm>> -> memref<1x128x64xf32, #tpu.memory_space<hbm>>
        %dma_wait3A_48 = tpu.memref_squeeze %dma_wait3A_47 : memref<1x128x64xf32, #tpu.memory_space<hbm>> -> memref<128x64xf32, #tpu.memory_space<hbm>>
        tpu.wait_dma2 semaphore(%run_scoped3A : memref<!tpu.dma_semaphore, #tpu.memory_space<semaphore_mem>>) src(%arg8 : memref<128x64xf32, #tpu.memory_space<vmem>>) dst(%dma_wait3A_48 : memref<128x64xf32, #tpu.memory_space<hbm>>)
        tpu.yield
      }) : () -> ()
    }
    %scan3A_34 = arith.constant 5 : i32
    return
  }
}

#map = affine_map<(d0, d1) -> (0, 0, 0)>
#map1 = affine_map<(d0, d1) -> (0, 0)>
module attributes {stable_mosaic.version = 14 : i64} {
  func.func @_deg_kernel(%arg0: i32, %arg1: i32, %arg2: memref<32x80x128xi32, #tpu.memory_space<hbm>>, %arg3: memref<2x10240xf32, #tpu.memory_space<hbm>>, %arg4: memref<80x128xi32, #tpu.memory_space<vmem>>, %arg5: memref<128xf32, #tpu.memory_space<vmem>>, %arg6: memref<640xf32, #tpu.memory_space<vmem>>, %arg7: memref<10240xf32, #tpu.memory_space<vmem_shared>>) attributes {dimension_semantics = [#tpu.dimension_semantics<core_parallel>, #tpu.dimension_semantics<subcore_parallel>], iteration_bounds = array<i64: 2, 16>, scalar_prefetch = 0 : i64, scratch_operands = 4 : i64, tpu.core_type = #tpu.core_type<sc_vector_subcore>, window_params = [{transform_indices = #map}, {transform_indices = #map1}]} {
    %mul3A = arith.constant 16 : i32
    %mul3A_0 = arith.muli %arg0, %mul3A : i32
    %add3A = arith.addi %mul3A_0, %arg1 : i32
    "tpu.region"() ({
      %run_scoped3A = tpu.sem_alloc : memref<!tpu.dma_semaphore, #tpu.memory_space<semaphore_mem>>
      %dma_start3A = arith.constant 0 : i32
      %dma_start3A_25 = arith.constant 0 : i32
      %dma_start3A_26 = tpu.memref_slice %arg2[%add3A, %dma_start3A, %dma_start3A_25] : memref<32x80x128xi32, #tpu.memory_space<hbm>> -> memref<1x80x128xi32, #tpu.memory_space<hbm>>
      %dma_start3A_27 = tpu.memref_squeeze %dma_start3A_26 : memref<1x80x128xi32, #tpu.memory_space<hbm>> -> memref<80x128xi32, #tpu.memory_space<hbm>>
      %dma_start3A_28 = arith.constant 0 : i32
      %dma_start3A_29 = arith.constant 0 : i32
      %dma_start3A_30 = tpu.memref_slice %arg2[%add3A, %dma_start3A_28, %dma_start3A_29] : memref<32x80x128xi32, #tpu.memory_space<hbm>> -> memref<1x80x128xi32, #tpu.memory_space<hbm>>
      %dma_start3A_31 = tpu.memref_squeeze %dma_start3A_30 : memref<1x80x128xi32, #tpu.memory_space<hbm>> -> memref<80x128xi32, #tpu.memory_space<hbm>>
      tpu.enqueue_dma source(%dma_start3A_31 : memref<80x128xi32, #tpu.memory_space<hbm>>) target(%arg4 : memref<80x128xi32, #tpu.memory_space<vmem>>) target_semaphore(%run_scoped3A : memref<!tpu.dma_semaphore, #tpu.memory_space<semaphore_mem>>)
      %dma_wait3A = arith.constant 0 : i32
      %dma_wait3A_32 = arith.constant 0 : i32
      %dma_wait3A_33 = tpu.memref_slice %arg2[%add3A, %dma_wait3A, %dma_wait3A_32] : memref<32x80x128xi32, #tpu.memory_space<hbm>> -> memref<1x80x128xi32, #tpu.memory_space<hbm>>
      %dma_wait3A_34 = tpu.memref_squeeze %dma_wait3A_33 : memref<1x80x128xi32, #tpu.memory_space<hbm>> -> memref<80x128xi32, #tpu.memory_space<hbm>>
      %dma_wait3A_35 = arith.constant 0 : i32
      %dma_wait3A_36 = arith.constant 0 : i32
      %dma_wait3A_37 = tpu.memref_slice %arg2[%add3A, %dma_wait3A_35, %dma_wait3A_36] : memref<32x80x128xi32, #tpu.memory_space<hbm>> -> memref<1x80x128xi32, #tpu.memory_space<hbm>>
      %dma_wait3A_38 = tpu.memref_squeeze %dma_wait3A_37 : memref<1x80x128xi32, #tpu.memory_space<hbm>> -> memref<80x128xi32, #tpu.memory_space<hbm>>
      tpu.wait_dma2 semaphore(%run_scoped3A : memref<!tpu.dma_semaphore, #tpu.memory_space<semaphore_mem>>) src(%dma_wait3A_38 : memref<80x128xi32, #tpu.memory_space<hbm>>) dst(%arg4 : memref<80x128xi32, #tpu.memory_space<vmem>>)
      tpu.yield
    }) : () -> ()
    %scan3A = arith.constant 0 : i32
    %scan3A_1 = arith.constant 0 : i32
    %scan3A_2 = arith.constant 8 : i32
    %scan3A_3 = arith.addi %scan3A_1, %scan3A_2 : i32
    %scan3A_4 = arith.constant 1 : i32
    scf.for %scan3A_25 = %scan3A_1 to %scan3A_3 step %scan3A_4  : i32 {
      %broadcast_in_dim3A = arith.constant 1.000000e+00 : f32
      %broadcast_in_dim3A_26 = vector.broadcast %broadcast_in_dim3A : f32 to vector<16xf32>
      %mul3A_27 = arith.constant 16 : i32
      %mul3A_28 = arith.muli %scan3A_25, %mul3A_27 : i32
      %swap3A = arith.index_cast %mul3A_28 : i32 to index
      %swap3A_29 = tpu.vector_load %arg5[%swap3A] {strides = array<i32>} : memref<128xf32, #tpu.memory_space<vmem>>, vector<16xf32>,
      %swap3A_30 = vector.shape_cast %swap3A_29 : vector<16xf32> to vector<16xf32>
      %swap3A_31 = vector.shape_cast %broadcast_in_dim3A_26 : vector<16xf32> to vector<16xf32>
      tpu.vector_store %arg5[%swap3A], %swap3A_31 {strides = array<i32>} : memref<128xf32, #tpu.memory_space<vmem>>, vector<16xf32>,
    }
    %scan3A_5 = arith.constant 8 : i32
    %scan3A_6 = arith.constant 0 : i32
    %scan3A_7 = arith.constant 0 : i32
    %scan3A_8 = arith.constant 40 : i32
    %scan3A_9 = arith.addi %scan3A_7, %scan3A_8 : i32
    %scan3A_10 = arith.constant 1 : i32
    scf.for %scan3A_25 = %scan3A_7 to %scan3A_9 step %scan3A_10  : i32 {
      %broadcast_in_dim3A = arith.constant 0.000000e+00 : f32
      %broadcast_in_dim3A_26 = vector.broadcast %broadcast_in_dim3A : f32 to vector<16xf32>
      %mul3A_27 = arith.constant 16 : i32
      %mul3A_28 = arith.muli %scan3A_25, %mul3A_27 : i32
      %swap3A = arith.index_cast %mul3A_28 : i32 to index
      %swap3A_29 = tpu.vector_load %arg6[%swap3A] {strides = array<i32>} : memref<640xf32, #tpu.memory_space<vmem>>, vector<16xf32>,
      %swap3A_30 = vector.shape_cast %swap3A_29 : vector<16xf32> to vector<16xf32>
      %swap3A_31 = vector.shape_cast %broadcast_in_dim3A_26 : vector<16xf32> to vector<16xf32>
      tpu.vector_store %arg6[%swap3A], %swap3A_31 {strides = array<i32>} : memref<640xf32, #tpu.memory_space<vmem>>, vector<16xf32>,
    }
    %scan3A_11 = arith.constant 40 : i32
    %mul3A_12 = arith.constant 640 : i32
    %mul3A_13 = arith.muli %arg1, %mul3A_12 : i32
    "tpu.region"() ({
      %run_scoped3A = tpu.sem_alloc : memref<!tpu.dma_semaphore, #tpu.memory_space<semaphore_mem>>
      %dma_start3A = tpu.memref_slice %arg7[%mul3A_13] : memref<10240xf32, #tpu.memory_space<vmem_shared>> -> memref<640xf32, #tpu.memory_space<vmem_shared>>
      %dma_start3A_25 = tpu.memref_slice %arg7[%mul3A_13] : memref<10240xf32, #tpu.memory_space<vmem_shared>> -> memref<640xf32, #tpu.memory_space<vmem_shared>>
      tpu.enqueue_dma source(%arg6 : memref<640xf32, #tpu.memory_space<vmem>>) target(%dma_start3A_25 : memref<640xf32, #tpu.memory_space<vmem_shared>>) target_semaphore(%run_scoped3A : memref<!tpu.dma_semaphore, #tpu.memory_space<semaphore_mem>>)
      %dma_wait3A = tpu.memref_slice %arg7[%mul3A_13] : memref<10240xf32, #tpu.memory_space<vmem_shared>> -> memref<640xf32, #tpu.memory_space<vmem_shared>>
      %dma_wait3A_26 = tpu.memref_slice %arg7[%mul3A_13] : memref<10240xf32, #tpu.memory_space<vmem_shared>> -> memref<640xf32, #tpu.memory_space<vmem_shared>>
      tpu.wait_dma2 semaphore(%run_scoped3A : memref<!tpu.dma_semaphore, #tpu.memory_space<semaphore_mem>>) src(%arg6 : memref<640xf32, #tpu.memory_space<vmem>>) dst(%dma_wait3A_26 : memref<640xf32, #tpu.memory_space<vmem_shared>>)
      tpu.yield
    }) : () -> ()
    %barrier3A = arith.constant 0 : index
    tpu.barrier barrier_id(%barrier3A)
    %scan3A_14 = arith.constant 0 : i32
    %scan3A_15 = arith.constant 0 : i32
    %scan3A_16 = arith.constant 80 : i32
    %scan3A_17 = arith.addi %scan3A_15, %scan3A_16 : i32
    %scan3A_18 = arith.constant 1 : i32
    scf.for %scan3A_25 = %scan3A_15 to %scan3A_17 step %scan3A_18  : i32 {
      "tpu.region"() ({
        %run_scoped3A = tpu.sem_alloc : memref<!tpu.dma_semaphore, #tpu.memory_space<semaphore_mem>>
        %dma_start3A = arith.constant 0 : i32
        %dma_start3A_26 = tpu.memref_slice %arg4[%scan3A_25, %dma_start3A] : memref<80x128xi32, #tpu.memory_space<vmem>> -> memref<1x128xi32, #tpu.memory_space<vmem>>
        %dma_start3A_27 = tpu.memref_squeeze %dma_start3A_26 : memref<1x128xi32, #tpu.memory_space<vmem>> -> memref<128xi32, #tpu.memory_space<vmem>>
        %dma_start3A_28 = arith.constant 0 : i32
        %dma_start3A_29 = tpu.memref_slice %arg7[%dma_start3A_28] : memref<10240xf32, #tpu.memory_space<vmem_shared>> -> memref<10240xf32, #tpu.memory_space<vmem_shared>>
        tpu.enqueue_indirect_dma source(%arg5 : memref<128xf32, #tpu.memory_space<vmem>>) target(%dma_start3A_29 : memref<10240xf32, #tpu.memory_space<vmem_shared>>) offsets(%dma_start3A_27 : memref<128xi32, #tpu.memory_space<vmem>>) semaphore(%run_scoped3A : memref<!tpu.dma_semaphore, #tpu.memory_space<semaphore_mem>>) {add = true}
        %dma_wait3A = arith.constant 0 : i32
        %dma_wait3A_30 = tpu.memref_slice %arg4[%scan3A_25, %dma_wait3A] : memref<80x128xi32, #tpu.memory_space<vmem>> -> memref<1x128xi32, #tpu.memory_space<vmem>>
        %dma_wait3A_31 = tpu.memref_squeeze %dma_wait3A_30 : memref<1x128xi32, #tpu.memory_space<vmem>> -> memref<128xi32, #tpu.memory_space<vmem>>
        %dma_wait3A_32 = arith.constant 0 : i32
        %dma_wait3A_33 = tpu.memref_slice %arg7[%dma_wait3A_32] : memref<10240xf32, #tpu.memory_space<vmem_shared>> -> memref<10240xf32, #tpu.memory_space<vmem_shared>>
        tpu.wait_indirect_dma semaphore(%run_scoped3A : memref<!tpu.dma_semaphore, #tpu.memory_space<semaphore_mem>>) src(%arg5 : memref<128xf32, #tpu.memory_space<vmem>>) dst(%dma_wait3A_33 : memref<10240xf32, #tpu.memory_space<vmem_shared>>)
        tpu.yield
      }) : () -> ()
    }
    %scan3A_19 = arith.constant 80 : i32
    %barrier3A_20 = arith.constant 0 : index
    tpu.barrier barrier_id(%barrier3A_20)
    %mul3A_21 = arith.constant 640 : i32
    %mul3A_22 = arith.muli %arg1, %mul3A_21 : i32
    "tpu.region"() ({
      %run_scoped3A = tpu.sem_alloc : memref<!tpu.dma_semaphore, #tpu.memory_space<semaphore_mem>>
      %dma_start3A = tpu.memref_slice %arg7[%mul3A_22] : memref<10240xf32, #tpu.memory_space<vmem_shared>> -> memref<640xf32, #tpu.memory_space<vmem_shared>>
      %dma_start3A_25 = tpu.memref_slice %arg7[%mul3A_22] : memref<10240xf32, #tpu.memory_space<vmem_shared>> -> memref<640xf32, #tpu.memory_space<vmem_shared>>
      tpu.enqueue_dma source(%dma_start3A_25 : memref<640xf32, #tpu.memory_space<vmem_shared>>) target(%arg6 : memref<640xf32, #tpu.memory_space<vmem>>) target_semaphore(%run_scoped3A : memref<!tpu.dma_semaphore, #tpu.memory_space<semaphore_mem>>)
      %dma_wait3A = tpu.memref_slice %arg7[%mul3A_22] : memref<10240xf32, #tpu.memory_space<vmem_shared>> -> memref<640xf32, #tpu.memory_space<vmem_shared>>
      %dma_wait3A_26 = tpu.memref_slice %arg7[%mul3A_22] : memref<10240xf32, #tpu.memory_space<vmem_shared>> -> memref<640xf32, #tpu.memory_space<vmem_shared>>
      tpu.wait_dma2 semaphore(%run_scoped3A : memref<!tpu.dma_semaphore, #tpu.memory_space<semaphore_mem>>) src(%dma_wait3A_26 : memref<640xf32, #tpu.memory_space<vmem_shared>>) dst(%arg6 : memref<640xf32, #tpu.memory_space<vmem>>)
      tpu.yield
    }) : () -> ()
    %mul3A_23 = arith.constant 640 : i32
    %mul3A_24 = arith.muli %arg1, %mul3A_23 : i32
    "tpu.region"() ({
      %run_scoped3A = tpu.sem_alloc : memref<!tpu.dma_semaphore, #tpu.memory_space<semaphore_mem>>
      %dma_start3A = tpu.memref_slice %arg3[%arg0, %mul3A_24] : memref<2x10240xf32, #tpu.memory_space<hbm>> -> memref<1x640xf32, #tpu.memory_space<hbm>>
      %dma_start3A_25 = tpu.memref_squeeze %dma_start3A : memref<1x640xf32, #tpu.memory_space<hbm>> -> memref<640xf32, #tpu.memory_space<hbm>>
      %dma_start3A_26 = tpu.memref_slice %arg3[%arg0, %mul3A_24] : memref<2x10240xf32, #tpu.memory_space<hbm>> -> memref<1x640xf32, #tpu.memory_space<hbm>>
      %dma_start3A_27 = tpu.memref_squeeze %dma_start3A_26 : memref<1x640xf32, #tpu.memory_space<hbm>> -> memref<640xf32, #tpu.memory_space<hbm>>
      tpu.enqueue_dma source(%arg6 : memref<640xf32, #tpu.memory_space<vmem>>) target(%dma_start3A_27 : memref<640xf32, #tpu.memory_space<hbm>>) target_semaphore(%run_scoped3A : memref<!tpu.dma_semaphore, #tpu.memory_space<semaphore_mem>>)
      %dma_wait3A = tpu.memref_slice %arg3[%arg0, %mul3A_24] : memref<2x10240xf32, #tpu.memory_space<hbm>> -> memref<1x640xf32, #tpu.memory_space<hbm>>
      %dma_wait3A_28 = tpu.memref_squeeze %dma_wait3A : memref<1x640xf32, #tpu.memory_space<hbm>> -> memref<640xf32, #tpu.memory_space<hbm>>
      %dma_wait3A_29 = tpu.memref_slice %arg3[%arg0, %mul3A_24] : memref<2x10240xf32, #tpu.memory_space<hbm>> -> memref<1x640xf32, #tpu.memory_space<hbm>>
      %dma_wait3A_30 = tpu.memref_squeeze %dma_wait3A_29 : memref<1x640xf32, #tpu.memory_space<hbm>> -> memref<640xf32, #tpu.memory_space<hbm>>
      tpu.wait_dma2 semaphore(%run_scoped3A : memref<!tpu.dma_semaphore, #tpu.memory_space<semaphore_mem>>) src(%arg6 : memref<640xf32, #tpu.memory_space<vmem>>) dst(%dma_wait3A_30 : memref<640xf32, #tpu.memory_space<hbm>>)
      tpu.yield
    }) : () -> ()
    return
  }
}

#map = affine_map<(d0, d1) -> (0, 0, 0)>
module attributes {stable_mosaic.version = 14 : i64} {
  func.func @_agg_kernel(%arg0: i32, %arg1: i32, %arg2: memref<2x10240x64xf32, #tpu.memory_space<hbm>>, %arg3: memref<16x158x128xi32, #tpu.memory_space<hbm>>, %arg4: memref<16x158x128xi32, #tpu.memory_space<hbm>>, %arg5: memref<2x10240x64xf32, #tpu.memory_space<hbm>>, %arg6: memref<158x128xi32, #tpu.memory_space<vmem>>, %arg7: memref<158x128xi32, #tpu.memory_space<vmem>>, %arg8: memref<128x64xf32, #tpu.memory_space<vmem>>, %arg9: memref<128x64xf32, #tpu.memory_space<vmem>>, %arg10: memref<10240x64xf32, #tpu.memory_space<vmem_shared>>, %arg11: memref<!tpu.dma_semaphore, #tpu.memory_space<semaphore_mem>>, %arg12: memref<!tpu.dma_semaphore, #tpu.memory_space<semaphore_mem>>) attributes {dimension_semantics = [#tpu.dimension_semantics<core_parallel>, #tpu.dimension_semantics<subcore_parallel>], iteration_bounds = array<i64: 2, 16>, scalar_prefetch = 0 : i64, scratch_operands = 7 : i64, tpu.core_type = #tpu.core_type<sc_vector_subcore>, window_params = [{transform_indices = #map}, {transform_indices = #map}, {transform_indices = #map}, {transform_indices = #map}]} {
    "tpu.region"() ({
      %run_scoped3A = tpu.sem_alloc : memref<!tpu.dma_semaphore, #tpu.memory_space<semaphore_mem>>
      %dma_start3A_35 = arith.constant 0 : i32
      %dma_start3A_36 = arith.constant 0 : i32
      %dma_start3A_37 = tpu.memref_slice %arg3[%arg1, %dma_start3A_35, %dma_start3A_36] : memref<16x158x128xi32, #tpu.memory_space<hbm>> -> memref<1x158x128xi32, #tpu.memory_space<hbm>>
      %dma_start3A_38 = tpu.memref_squeeze %dma_start3A_37 : memref<1x158x128xi32, #tpu.memory_space<hbm>> -> memref<158x128xi32, #tpu.memory_space<hbm>>
      %dma_start3A_39 = arith.constant 0 : i32
      %dma_start3A_40 = arith.constant 0 : i32
      %dma_start3A_41 = tpu.memref_slice %arg3[%arg1, %dma_start3A_39, %dma_start3A_40] : memref<16x158x128xi32, #tpu.memory_space<hbm>> -> memref<1x158x128xi32, #tpu.memory_space<hbm>>
      %dma_start3A_42 = tpu.memref_squeeze %dma_start3A_41 : memref<1x158x128xi32, #tpu.memory_space<hbm>> -> memref<158x128xi32, #tpu.memory_space<hbm>>
      tpu.enqueue_dma source(%dma_start3A_42 : memref<158x128xi32, #tpu.memory_space<hbm>>) target(%arg6 : memref<158x128xi32, #tpu.memory_space<vmem>>) target_semaphore(%run_scoped3A : memref<!tpu.dma_semaphore, #tpu.memory_space<semaphore_mem>>)
      %dma_wait3A = arith.constant 0 : i32
      %dma_wait3A_43 = arith.constant 0 : i32
      %dma_wait3A_44 = tpu.memref_slice %arg3[%arg1, %dma_wait3A, %dma_wait3A_43] : memref<16x158x128xi32, #tpu.memory_space<hbm>> -> memref<1x158x128xi32, #tpu.memory_space<hbm>>
      %dma_wait3A_45 = tpu.memref_squeeze %dma_wait3A_44 : memref<1x158x128xi32, #tpu.memory_space<hbm>> -> memref<158x128xi32, #tpu.memory_space<hbm>>
      %dma_wait3A_46 = arith.constant 0 : i32
      %dma_wait3A_47 = arith.constant 0 : i32
      %dma_wait3A_48 = tpu.memref_slice %arg3[%arg1, %dma_wait3A_46, %dma_wait3A_47] : memref<16x158x128xi32, #tpu.memory_space<hbm>> -> memref<1x158x128xi32, #tpu.memory_space<hbm>>
      %dma_wait3A_49 = tpu.memref_squeeze %dma_wait3A_48 : memref<1x158x128xi32, #tpu.memory_space<hbm>> -> memref<158x128xi32, #tpu.memory_space<hbm>>
      tpu.wait_dma2 semaphore(%run_scoped3A : memref<!tpu.dma_semaphore, #tpu.memory_space<semaphore_mem>>) src(%dma_wait3A_49 : memref<158x128xi32, #tpu.memory_space<hbm>>) dst(%arg6 : memref<158x128xi32, #tpu.memory_space<vmem>>)
      tpu.yield
    }) : () -> ()
    "tpu.region"() ({
      %run_scoped3A = tpu.sem_alloc : memref<!tpu.dma_semaphore, #tpu.memory_space<semaphore_mem>>
      %dma_start3A_35 = arith.constant 0 : i32
      %dma_start3A_36 = arith.constant 0 : i32
      %dma_start3A_37 = tpu.memref_slice %arg4[%arg1, %dma_start3A_35, %dma_start3A_36] : memref<16x158x128xi32, #tpu.memory_space<hbm>> -> memref<1x158x128xi32, #tpu.memory_space<hbm>>
      %dma_start3A_38 = tpu.memref_squeeze %dma_start3A_37 : memref<1x158x128xi32, #tpu.memory_space<hbm>> -> memref<158x128xi32, #tpu.memory_space<hbm>>
      %dma_start3A_39 = arith.constant 0 : i32
      %dma_start3A_40 = arith.constant 0 : i32
      %dma_start3A_41 = tpu.memref_slice %arg4[%arg1, %dma_start3A_39, %dma_start3A_40] : memref<16x158x128xi32, #tpu.memory_space<hbm>> -> memref<1x158x128xi32, #tpu.memory_space<hbm>>
      %dma_start3A_42 = tpu.memref_squeeze %dma_start3A_41 : memref<1x158x128xi32, #tpu.memory_space<hbm>> -> memref<158x128xi32, #tpu.memory_space<hbm>>
      tpu.enqueue_dma source(%dma_start3A_42 : memref<158x128xi32, #tpu.memory_space<hbm>>) target(%arg7 : memref<158x128xi32, #tpu.memory_space<vmem>>) target_semaphore(%run_scoped3A : memref<!tpu.dma_semaphore, #tpu.memory_space<semaphore_mem>>)
      %dma_wait3A = arith.constant 0 : i32
      %dma_wait3A_43 = arith.constant 0 : i32
      %dma_wait3A_44 = tpu.memref_slice %arg4[%arg1, %dma_wait3A, %dma_wait3A_43] : memref<16x158x128xi32, #tpu.memory_space<hbm>> -> memref<1x158x128xi32, #tpu.memory_space<hbm>>
      %dma_wait3A_45 = tpu.memref_squeeze %dma_wait3A_44 : memref<1x158x128xi32, #tpu.memory_space<hbm>> -> memref<158x128xi32, #tpu.memory_space<hbm>>
      %dma_wait3A_46 = arith.constant 0 : i32
      %dma_wait3A_47 = arith.constant 0 : i32
      %dma_wait3A_48 = tpu.memref_slice %arg4[%arg1, %dma_wait3A_46, %dma_wait3A_47] : memref<16x158x128xi32, #tpu.memory_space<hbm>> -> memref<1x158x128xi32, #tpu.memory_space<hbm>>
      %dma_wait3A_49 = tpu.memref_squeeze %dma_wait3A_48 : memref<1x158x128xi32, #tpu.memory_space<hbm>> -> memref<158x128xi32, #tpu.memory_space<hbm>>
      tpu.wait_dma2 semaphore(%run_scoped3A : memref<!tpu.dma_semaphore, #tpu.memory_space<semaphore_mem>>) src(%dma_wait3A_49 : memref<158x128xi32, #tpu.memory_space<hbm>>) dst(%arg7 : memref<158x128xi32, #tpu.memory_space<vmem>>)
      tpu.yield
    }) : () -> ()
    %scan3A = arith.constant 0 : i32
    %scan3A_0 = arith.constant 0 : i32
    %scan3A_1 = arith.constant 512 : i32
    %scan3A_2 = arith.addi %scan3A_0, %scan3A_1 : i32
    %scan3A_3 = arith.constant 1 : i32
    scf.for %scan3A_35 = %scan3A_0 to %scan3A_2 step %scan3A_3  : i32 {
      %broadcast_in_dim3A = arith.constant 0.000000e+00 : f32
      %broadcast_in_dim3A_36 = vector.broadcast %broadcast_in_dim3A : f32 to vector<16xf32>
      %jit3A = arith.constant 4 : i32
      %div3A = arith.divsi %scan3A_35, %jit3A : i32
      %sign3A = arith.constant 0 : i32
      %sign3A_37 = arith.cmpi sgt, %scan3A_35, %sign3A : i32
      %sign3A_38 = arith.extui %sign3A_37 : i1 to i32
      %sign3A_39 = arith.constant 0 : i32
      %sign3A_40 = arith.cmpi slt, %scan3A_35, %sign3A_39 : i32
      %sign3A_41 = arith.extui %sign3A_40 : i1 to i32
      %sign3A_42 = arith.subi %sign3A_38, %sign3A_41 : i32
      %sign3A_43 = arith.constant 0 : i32
      %sign3A_44 = arith.cmpi sgt, %jit3A, %sign3A_43 : i32
      %sign3A_45 = arith.extui %sign3A_44 : i1 to i32
      %sign3A_46 = arith.constant 0 : i32
      %sign3A_47 = arith.cmpi slt, %jit3A, %sign3A_46 : i32
      %sign3A_48 = arith.extui %sign3A_47 : i1 to i32
      %sign3A_49 = arith.subi %sign3A_45, %sign3A_48 : i32
      %ne3A = arith.cmpi ne, %sign3A_42, %sign3A_49 : i32
      %rem3A = arith.remsi %scan3A_35, %jit3A : i32
      %ne3A_50 = arith.constant 0 : i32
      %ne3A_51 = arith.cmpi ne, %rem3A, %ne3A_50 : i32
      %and3A = arith.andi %ne3A, %ne3A_51 : i1
      %sub3A = arith.constant 1 : i32
      %sub3A_52 = arith.subi %div3A, %sub3A : i32
      %select_n3A = arith.select %and3A, %sub3A_52, %div3A : i32
      %jit3A_53 = arith.constant 4 : i32
      %eq3A = arith.constant 0 : i32
      %eq3A_54 = arith.cmpi eq, %jit3A_53, %eq3A : i32
      %jit3A_55 = arith.constant 1 : i32
      %select_n3A_56 = arith.select %eq3A_54, %jit3A_55, %jit3A_53 : i32
      %rem3A_57 = arith.remsi %scan3A_35, %select_n3A_56 : i32
      %ne3A_58 = arith.constant 0 : i32
      %ne3A_59 = arith.cmpi ne, %rem3A_57, %ne3A_58 : i32
      %lt3A = arith.constant 0 : i32
      %lt3A_60 = arith.cmpi slt, %rem3A_57, %lt3A : i32
      %lt3A_61 = arith.constant 0 : i32
      %lt3A_62 = arith.cmpi slt, %select_n3A_56, %lt3A_61 : i32
      %ne3A_63 = arith.xori %lt3A_60, %lt3A_62 : i1
      %and3A_64 = arith.andi %ne3A_63, %ne3A_59 : i1
      %add3A = arith.addi %rem3A_57, %select_n3A_56 : i32
      %select_n3A_65 = arith.select %and3A_64, %add3A, %rem3A_57 : i32
      %mul3A_66 = arith.constant 16 : i32
      %mul3A_67 = arith.muli %select_n3A_65, %mul3A_66 : i32
      %swap3A = arith.index_cast %select_n3A : i32 to index
      %swap3A_68 = arith.index_cast %mul3A_67 : i32 to index
      %swap3A_69 = tpu.vector_load %arg8[%swap3A, %swap3A_68] {strides = array<i32>} : memref<128x64xf32, #tpu.memory_space<vmem>>, vector<1x16xf32>,
      %swap3A_70 = vector.shape_cast %swap3A_69 : vector<1x16xf32> to vector<16xf32>
      %swap3A_71 = vector.shape_cast %broadcast_in_dim3A_36 : vector<16xf32> to vector<1x16xf32>
      tpu.vector_store %arg8[%swap3A, %swap3A_68], %swap3A_71 {strides = array<i32>} : memref<128x64xf32, #tpu.memory_space<vmem>>, vector<1x16xf32>,
    }
    %scan3A_4 = arith.constant 512 : i32
    %mul3A = arith.constant 640 : i32
    %mul3A_5 = arith.muli %arg1, %mul3A : i32
    %scan3A_6 = arith.constant 0 : i32
    %scan3A_7 = arith.constant 0 : i32
    %scan3A_8 = arith.constant 5 : i32
    %scan3A_9 = arith.addi %scan3A_7, %scan3A_8 : i32
    %scan3A_10 = arith.constant 1 : i32
    scf.for %scan3A_35 = %scan3A_7 to %scan3A_9 step %scan3A_10  : i32 {
      %mul3A_36 = arith.constant 128 : i32
      %mul3A_37 = arith.muli %scan3A_35, %mul3A_36 : i32
      %add3A = arith.addi %mul3A_5, %mul3A_37 : i32
      "tpu.region"() ({
        %run_scoped3A = tpu.sem_alloc : memref<!tpu.dma_semaphore, #tpu.memory_space<semaphore_mem>>
        %dma_start3A_38 = arith.constant 0 : i32
        %dma_start3A_39 = tpu.memref_slice %arg10[%add3A, %dma_start3A_38] : memref<10240x64xf32, #tpu.memory_space<vmem_shared>> -> memref<128x64xf32, #tpu.memory_space<vmem_shared>>
        %dma_start3A_40 = arith.constant 0 : i32
        %dma_start3A_41 = tpu.memref_slice %arg10[%add3A, %dma_start3A_40] : memref<10240x64xf32, #tpu.memory_space<vmem_shared>> -> memref<128x64xf32, #tpu.memory_space<vmem_shared>>
        tpu.enqueue_dma source(%arg8 : memref<128x64xf32, #tpu.memory_space<vmem>>) target(%dma_start3A_41 : memref<128x64xf32, #tpu.memory_space<vmem_shared>>) target_semaphore(%run_scoped3A : memref<!tpu.dma_semaphore, #tpu.memory_space<semaphore_mem>>)
        %dma_wait3A = arith.constant 0 : i32
        %dma_wait3A_42 = tpu.memref_slice %arg10[%add3A, %dma_wait3A] : memref<10240x64xf32, #tpu.memory_space<vmem_shared>> -> memref<128x64xf32, #tpu.memory_space<vmem_shared>>
        %dma_wait3A_43 = arith.constant 0 : i32
        %dma_wait3A_44 = tpu.memref_slice %arg10[%add3A, %dma_wait3A_43] : memref<10240x64xf32, #tpu.memory_space<vmem_shared>> -> memref<128x64xf32, #tpu.memory_space<vmem_shared>>
        tpu.wait_dma2 semaphore(%run_scoped3A : memref<!tpu.dma_semaphore, #tpu.memory_space<semaphore_mem>>) src(%arg8 : memref<128x64xf32, #tpu.memory_space<vmem>>) dst(%dma_wait3A_44 : memref<128x64xf32, #tpu.memory_space<vmem_shared>>)
        tpu.yield
      }) : () -> ()
    }
    %scan3A_11 = arith.constant 5 : i32
    %barrier3A = arith.constant 0 : index
    tpu.barrier barrier_id(%barrier3A)
    %dma_start3A = arith.constant 0 : i32
    %dma_start3A_12 = arith.constant 0 : i32
    %dma_start3A_13 = tpu.memref_slice %arg6[%dma_start3A, %dma_start3A_12] : memref<158x128xi32, #tpu.memory_space<vmem>> -> memref<1x128xi32, #tpu.memory_space<vmem>>
    %dma_start3A_14 = tpu.memref_squeeze %dma_start3A_13 : memref<1x128xi32, #tpu.memory_space<vmem>> -> memref<128xi32, #tpu.memory_space<vmem>>
    %dma_start3A_15 = arith.constant 0 : i32
    %dma_start3A_16 = arith.constant 0 : i32
    %dma_start3A_17 = tpu.memref_slice %arg2[%arg0, %dma_start3A_15, %dma_start3A_16] : memref<2x10240x64xf32, #tpu.memory_space<hbm>> -> memref<1x10240x64xf32, #tpu.memory_space<hbm>>
    %dma_start3A_18 = tpu.memref_squeeze %dma_start3A_17 : memref<1x10240x64xf32, #tpu.memory_space<hbm>> -> memref<10240x64xf32, #tpu.memory_space<hbm>>
    %dma_start3A_19 = arith.constant 0 : i32
    %dma_start3A_20 = arith.constant 0 : i32
    %dma_start3A_21 = tpu.memref_slice %dma_start3A_18[%dma_start3A_19, %dma_start3A_20] : memref<10240x64xf32, #tpu.memory_space<hbm>> -> memref<10240x64xf32, #tpu.memory_space<hbm>>
    tpu.enqueue_indirect_dma source(%dma_start3A_21 : memref<10240x64xf32, #tpu.memory_space<hbm>>) target(%arg8 : memref<128x64xf32, #tpu.memory_space<vmem>>) offsets(%dma_start3A_14 : memref<128xi32, #tpu.memory_space<vmem>>) semaphore(%arg11 : memref<!tpu.dma_semaphore, #tpu.memory_space<semaphore_mem>>)
    %scan3A_22 = arith.constant 0 : i32
    %scan3A_23 = arith.constant 0 : i32
    %scan3A_24 = arith.constant 79 : i32
    %scan3A_25 = arith.addi %scan3A_23, %scan3A_24 : i32
    %scan3A_26 = arith.constant 1 : i32
    scf.for %scan3A_35 = %scan3A_23 to %scan3A_25 step %scan3A_26  : i32 {
      %mul3A_36 = arith.constant 2 : i32
      %mul3A_37 = arith.muli %mul3A_36, %scan3A_35 : i32
      %add3A = arith.constant 1 : i32
      %add3A_38 = arith.addi %mul3A_37, %add3A : i32
      %dma_start3A_39 = arith.constant 0 : i32
      %dma_start3A_40 = tpu.memref_slice %arg6[%add3A_38, %dma_start3A_39] : memref<158x128xi32, #tpu.memory_space<vmem>> -> memref<1x128xi32, #tpu.memory_space<vmem>>
      %dma_start3A_41 = tpu.memref_squeeze %dma_start3A_40 : memref<1x128xi32, #tpu.memory_space<vmem>> -> memref<128xi32, #tpu.memory_space<vmem>>
      %dma_start3A_42 = arith.constant 0 : i32
      %dma_start3A_43 = arith.constant 0 : i32
      %dma_start3A_44 = tpu.memref_slice %arg2[%arg0, %dma_start3A_42, %dma_start3A_43] : memref<2x10240x64xf32, #tpu.memory_space<hbm>> -> memref<1x10240x64xf32, #tpu.memory_space<hbm>>
      %dma_start3A_45 = tpu.memref_squeeze %dma_start3A_44 : memref<1x10240x64xf32, #tpu.memory_space<hbm>> -> memref<10240x64xf32, #tpu.memory_space<hbm>>
      %dma_start3A_46 = arith.constant 0 : i32
      %dma_start3A_47 = arith.constant 0 : i32
      %dma_start3A_48 = tpu.memref_slice %dma_start3A_45[%dma_start3A_46, %dma_start3A_47] : memref<10240x64xf32, #tpu.memory_space<hbm>> -> memref<10240x64xf32, #tpu.memory_space<hbm>>
      tpu.enqueue_indirect_dma source(%dma_start3A_48 : memref<10240x64xf32, #tpu.memory_space<hbm>>) target(%arg9 : memref<128x64xf32, #tpu.memory_space<vmem>>) offsets(%dma_start3A_41 : memref<128xi32, #tpu.memory_space<vmem>>) semaphore(%arg12 : memref<!tpu.dma_semaphore, #tpu.memory_space<semaphore_mem>>)
      %dma_wait3A = arith.constant 0 : i32
      %dma_wait3A_49 = tpu.memref_slice %arg6[%mul3A_37, %dma_wait3A] : memref<158x128xi32, #tpu.memory_space<vmem>> -> memref<1x128xi32, #tpu.memory_space<vmem>>
      %dma_wait3A_50 = tpu.memref_squeeze %dma_wait3A_49 : memref<1x128xi32, #tpu.memory_space<vmem>> -> memref<128xi32, #tpu.memory_space<vmem>>
      %dma_wait3A_51 = arith.constant 0 : i32
      %dma_wait3A_52 = arith.constant 0 : i32
      %dma_wait3A_53 = tpu.memref_slice %arg2[%arg0, %dma_wait3A_51, %dma_wait3A_52] : memref<2x10240x64xf32, #tpu.memory_space<hbm>> -> memref<1x10240x64xf32, #tpu.memory_space<hbm>>
      %dma_wait3A_54 = tpu.memref_squeeze %dma_wait3A_53 : memref<1x10240x64xf32, #tpu.memory_space<hbm>> -> memref<10240x64xf32, #tpu.memory_space<hbm>>
      %dma_wait3A_55 = arith.constant 0 : i32
      %dma_wait3A_56 = arith.constant 0 : i32
      %dma_wait3A_57 = tpu.memref_slice %dma_wait3A_54[%dma_wait3A_55, %dma_wait3A_56] : memref<10240x64xf32, #tpu.memory_space<hbm>> -> memref<10240x64xf32, #tpu.memory_space<hbm>>
      tpu.wait_indirect_dma semaphore(%arg11 : memref<!tpu.dma_semaphore, #tpu.memory_space<semaphore_mem>>) src(%dma_wait3A_57 : memref<10240x64xf32, #tpu.memory_space<hbm>>) dst(%arg8 : memref<128x64xf32, #tpu.memory_space<vmem>>)
      "tpu.region"() ({
        %run_scoped3A = tpu.sem_alloc : memref<!tpu.dma_semaphore, #tpu.memory_space<semaphore_mem>>
        %dma_start3A_72 = arith.constant 0 : i32
        %dma_start3A_73 = tpu.memref_slice %arg7[%mul3A_37, %dma_start3A_72] : memref<158x128xi32, #tpu.memory_space<vmem>> -> memref<1x128xi32, #tpu.memory_space<vmem>>
        %dma_start3A_74 = tpu.memref_squeeze %dma_start3A_73 : memref<1x128xi32, #tpu.memory_space<vmem>> -> memref<128xi32, #tpu.memory_space<vmem>>
        %dma_start3A_75 = arith.constant 0 : i32
        %dma_start3A_76 = arith.constant 0 : i32
        %dma_start3A_77 = tpu.memref_slice %arg10[%dma_start3A_75, %dma_start3A_76] : memref<10240x64xf32, #tpu.memory_space<vmem_shared>> -> memref<10240x64xf32, #tpu.memory_space<vmem_shared>>
        tpu.enqueue_indirect_dma source(%arg8 : memref<128x64xf32, #tpu.memory_space<vmem>>) target(%dma_start3A_77 : memref<10240x64xf32, #tpu.memory_space<vmem_shared>>) offsets(%dma_start3A_74 : memref<128xi32, #tpu.memory_space<vmem>>) semaphore(%run_scoped3A : memref<!tpu.dma_semaphore, #tpu.memory_space<semaphore_mem>>) {add = true}
        %dma_wait3A_78 = arith.constant 0 : i32
        %dma_wait3A_79 = tpu.memref_slice %arg7[%mul3A_37, %dma_wait3A_78] : memref<158x128xi32, #tpu.memory_space<vmem>> -> memref<1x128xi32, #tpu.memory_space<vmem>>
        %dma_wait3A_80 = tpu.memref_squeeze %dma_wait3A_79 : memref<1x128xi32, #tpu.memory_space<vmem>> -> memref<128xi32, #tpu.memory_space<vmem>>
        %dma_wait3A_81 = arith.constant 0 : i32
        %dma_wait3A_82 = arith.constant 0 : i32
        %dma_wait3A_83 = tpu.memref_slice %arg10[%dma_wait3A_81, %dma_wait3A_82] : memref<10240x64xf32, #tpu.memory_space<vmem_shared>> -> memref<10240x64xf32, #tpu.memory_space<vmem_shared>>
        tpu.wait_indirect_dma semaphore(%run_scoped3A : memref<!tpu.dma_semaphore, #tpu.memory_space<semaphore_mem>>) src(%arg8 : memref<128x64xf32, #tpu.memory_space<vmem>>) dst(%dma_wait3A_83 : memref<10240x64xf32, #tpu.memory_space<vmem_shared>>)
        tpu.yield
      }) : () -> ()
      %add3A_58 = arith.constant 1 : i32
      %add3A_59 = arith.addi %scan3A_35, %add3A_58 : i32
      %lt3A = arith.constant 79 : i32
      %lt3A_60 = arith.cmpi slt, %add3A_59, %lt3A : i32
      %convert_element_type3A = arith.extui %lt3A_60 : i1 to i32
      %cond3A = arith.constant 0 : i32
      %cond3A_61 = arith.cmpi ne, %convert_element_type3A, %cond3A : i32
      scf.if %cond3A_61 {
        %add3A_72 = arith.constant 2 : i32
        %add3A_73 = arith.addi %mul3A_37, %add3A_72 : i32
        %dma_start3A_74 = arith.constant 0 : i32
        %dma_start3A_75 = tpu.memref_slice %arg6[%add3A_73, %dma_start3A_74] : memref<158x128xi32, #tpu.memory_space<vmem>> -> memref<1x128xi32, #tpu.memory_space<vmem>>
        %dma_start3A_76 = tpu.memref_squeeze %dma_start3A_75 : memref<1x128xi32, #tpu.memory_space<vmem>> -> memref<128xi32, #tpu.memory_space<vmem>>
        %dma_start3A_77 = arith.constant 0 : i32
        %dma_start3A_78 = arith.constant 0 : i32
        %dma_start3A_79 = tpu.memref_slice %arg2[%arg0, %dma_start3A_77, %dma_start3A_78] : memref<2x10240x64xf32, #tpu.memory_space<hbm>> -> memref<1x10240x64xf32, #tpu.memory_space<hbm>>
        %dma_start3A_80 = tpu.memref_squeeze %dma_start3A_79 : memref<1x10240x64xf32, #tpu.memory_space<hbm>> -> memref<10240x64xf32, #tpu.memory_space<hbm>>
        %dma_start3A_81 = arith.constant 0 : i32
        %dma_start3A_82 = arith.constant 0 : i32
        %dma_start3A_83 = tpu.memref_slice %dma_start3A_80[%dma_start3A_81, %dma_start3A_82] : memref<10240x64xf32, #tpu.memory_space<hbm>> -> memref<10240x64xf32, #tpu.memory_space<hbm>>
        tpu.enqueue_indirect_dma source(%dma_start3A_83 : memref<10240x64xf32, #tpu.memory_space<hbm>>) target(%arg8 : memref<128x64xf32, #tpu.memory_space<vmem>>) offsets(%dma_start3A_76 : memref<128xi32, #tpu.memory_space<vmem>>) semaphore(%arg11 : memref<!tpu.dma_semaphore, #tpu.memory_space<semaphore_mem>>)
      } else {
      }
      %dma_wait3A_62 = arith.constant 0 : i32
      %dma_wait3A_63 = tpu.memref_slice %arg6[%add3A_38, %dma_wait3A_62] : memref<158x128xi32, #tpu.memory_space<vmem>> -> memref<1x128xi32, #tpu.memory_space<vmem>>
      %dma_wait3A_64 = tpu.memref_squeeze %dma_wait3A_63 : memref<1x128xi32, #tpu.memory_space<vmem>> -> memref<128xi32, #tpu.memory_space<vmem>>
      %dma_wait3A_65 = arith.constant 0 : i32
      %dma_wait3A_66 = arith.constant 0 : i32
      %dma_wait3A_67 = tpu.memref_slice %arg2[%arg0, %dma_wait3A_65, %dma_wait3A_66] : memref<2x10240x64xf32, #tpu.memory_space<hbm>> -> memref<1x10240x64xf32, #tpu.memory_space<hbm>>
      %dma_wait3A_68 = tpu.memref_squeeze %dma_wait3A_67 : memref<1x10240x64xf32, #tpu.memory_space<hbm>> -> memref<10240x64xf32, #tpu.memory_space<hbm>>
      %dma_wait3A_69 = arith.constant 0 : i32
      %dma_wait3A_70 = arith.constant 0 : i32
      %dma_wait3A_71 = tpu.memref_slice %dma_wait3A_68[%dma_wait3A_69, %dma_wait3A_70] : memref<10240x64xf32, #tpu.memory_space<hbm>> -> memref<10240x64xf32, #tpu.memory_space<hbm>>
      tpu.wait_indirect_dma semaphore(%arg12 : memref<!tpu.dma_semaphore, #tpu.memory_space<semaphore_mem>>) src(%dma_wait3A_71 : memref<10240x64xf32, #tpu.memory_space<hbm>>) dst(%arg9 : memref<128x64xf32, #tpu.memory_space<vmem>>)
      "tpu.region"() ({
        %run_scoped3A = tpu.sem_alloc : memref<!tpu.dma_semaphore, #tpu.memory_space<semaphore_mem>>
        %dma_start3A_72 = arith.constant 0 : i32
        %dma_start3A_73 = tpu.memref_slice %arg7[%add3A_38, %dma_start3A_72] : memref<158x128xi32, #tpu.memory_space<vmem>> -> memref<1x128xi32, #tpu.memory_space<vmem>>
        %dma_start3A_74 = tpu.memref_squeeze %dma_start3A_73 : memref<1x128xi32, #tpu.memory_space<vmem>> -> memref<128xi32, #tpu.memory_space<vmem>>
        %dma_start3A_75 = arith.constant 0 : i32
        %dma_start3A_76 = arith.constant 0 : i32
        %dma_start3A_77 = tpu.memref_slice %arg10[%dma_start3A_75, %dma_start3A_76] : memref<10240x64xf32, #tpu.memory_space<vmem_shared>> -> memref<10240x64xf32, #tpu.memory_space<vmem_shared>>
        tpu.enqueue_indirect_dma source(%arg9 : memref<128x64xf32, #tpu.memory_space<vmem>>) target(%dma_start3A_77 : memref<10240x64xf32, #tpu.memory_space<vmem_shared>>) offsets(%dma_start3A_74 : memref<128xi32, #tpu.memory_space<vmem>>) semaphore(%run_scoped3A : memref<!tpu.dma_semaphore, #tpu.memory_space<semaphore_mem>>) {add = true}
        %dma_wait3A_78 = arith.constant 0 : i32
        %dma_wait3A_79 = tpu.memref_slice %arg7[%add3A_38, %dma_wait3A_78] : memref<158x128xi32, #tpu.memory_space<vmem>> -> memref<1x128xi32, #tpu.memory_space<vmem>>
        %dma_wait3A_80 = tpu.memref_squeeze %dma_wait3A_79 : memref<1x128xi32, #tpu.memory_space<vmem>> -> memref<128xi32, #tpu.memory_space<vmem>>
        %dma_wait3A_81 = arith.constant 0 : i32
        %dma_wait3A_82 = arith.constant 0 : i32
        %dma_wait3A_83 = tpu.memref_slice %arg10[%dma_wait3A_81, %dma_wait3A_82] : memref<10240x64xf32, #tpu.memory_space<vmem_shared>> -> memref<10240x64xf32, #tpu.memory_space<vmem_shared>>
        tpu.wait_indirect_dma semaphore(%run_scoped3A : memref<!tpu.dma_semaphore, #tpu.memory_space<semaphore_mem>>) src(%arg9 : memref<128x64xf32, #tpu.memory_space<vmem>>) dst(%dma_wait3A_83 : memref<10240x64xf32, #tpu.memory_space<vmem_shared>>)
        tpu.yield
      }) : () -> ()
    }
    %scan3A_27 = arith.constant 79 : i32
    %barrier3A_28 = arith.constant 0 : index
    tpu.barrier barrier_id(%barrier3A_28)
    %scan3A_29 = arith.constant 0 : i32
    %scan3A_30 = arith.constant 0 : i32
    %scan3A_31 = arith.constant 5 : i32
    %scan3A_32 = arith.addi %scan3A_30, %scan3A_31 : i32
    %scan3A_33 = arith.constant 1 : i32
    scf.for %scan3A_35 = %scan3A_30 to %scan3A_32 step %scan3A_33  : i32 {
      %mul3A_36 = arith.constant 128 : i32
      %mul3A_37 = arith.muli %scan3A_35, %mul3A_36 : i32
      %add3A = arith.addi %mul3A_5, %mul3A_37 : i32
      "tpu.region"() ({
        %run_scoped3A = tpu.sem_alloc : memref<!tpu.dma_semaphore, #tpu.memory_space<semaphore_mem>>
        %dma_start3A_38 = arith.constant 0 : i32
        %dma_start3A_39 = tpu.memref_slice %arg10[%add3A, %dma_start3A_38] : memref<10240x64xf32, #tpu.memory_space<vmem_shared>> -> memref<128x64xf32, #tpu.memory_space<vmem_shared>>
        %dma_start3A_40 = arith.constant 0 : i32
        %dma_start3A_41 = tpu.memref_slice %arg10[%add3A, %dma_start3A_40] : memref<10240x64xf32, #tpu.memory_space<vmem_shared>> -> memref<128x64xf32, #tpu.memory_space<vmem_shared>>
        tpu.enqueue_dma source(%dma_start3A_41 : memref<128x64xf32, #tpu.memory_space<vmem_shared>>) target(%arg8 : memref<128x64xf32, #tpu.memory_space<vmem>>) target_semaphore(%run_scoped3A : memref<!tpu.dma_semaphore, #tpu.memory_space<semaphore_mem>>)
        %dma_wait3A = arith.constant 0 : i32
        %dma_wait3A_42 = tpu.memref_slice %arg10[%add3A, %dma_wait3A] : memref<10240x64xf32, #tpu.memory_space<vmem_shared>> -> memref<128x64xf32, #tpu.memory_space<vmem_shared>>
        %dma_wait3A_43 = arith.constant 0 : i32
        %dma_wait3A_44 = tpu.memref_slice %arg10[%add3A, %dma_wait3A_43] : memref<10240x64xf32, #tpu.memory_space<vmem_shared>> -> memref<128x64xf32, #tpu.memory_space<vmem_shared>>
        tpu.wait_dma2 semaphore(%run_scoped3A : memref<!tpu.dma_semaphore, #tpu.memory_space<semaphore_mem>>) src(%dma_wait3A_44 : memref<128x64xf32, #tpu.memory_space<vmem_shared>>) dst(%arg8 : memref<128x64xf32, #tpu.memory_space<vmem>>)
        tpu.yield
      }) : () -> ()
      "tpu.region"() ({
        %run_scoped3A = tpu.sem_alloc : memref<!tpu.dma_semaphore, #tpu.memory_space<semaphore_mem>>
        %dma_start3A_38 = arith.constant 0 : i32
        %dma_start3A_39 = tpu.memref_slice %arg5[%arg0, %add3A, %dma_start3A_38] : memref<2x10240x64xf32, #tpu.memory_space<hbm>> -> memref<1x128x64xf32, #tpu.memory_space<hbm>>
        %dma_start3A_40 = tpu.memref_squeeze %dma_start3A_39 : memref<1x128x64xf32, #tpu.memory_space<hbm>> -> memref<128x64xf32, #tpu.memory_space<hbm>>
        %dma_start3A_41 = arith.constant 0 : i32
        %dma_start3A_42 = tpu.memref_slice %arg5[%arg0, %add3A, %dma_start3A_41] : memref<2x10240x64xf32, #tpu.memory_space<hbm>> -> memref<1x128x64xf32, #tpu.memory_space<hbm>>
        %dma_start3A_43 = tpu.memref_squeeze %dma_start3A_42 : memref<1x128x64xf32, #tpu.memory_space<hbm>> -> memref<128x64xf32, #tpu.memory_space<hbm>>
        tpu.enqueue_dma source(%arg8 : memref<128x64xf32, #tpu.memory_space<vmem>>) target(%dma_start3A_43 : memref<128x64xf32, #tpu.memory_space<hbm>>) target_semaphore(%run_scoped3A : memref<!tpu.dma_semaphore, #tpu.memory_space<semaphore_mem>>)
        %dma_wait3A = arith.constant 0 : i32
        %dma_wait3A_44 = tpu.memref_slice %arg5[%arg0, %add3A, %dma_wait3A] : memref<2x10240x64xf32, #tpu.memory_space<hbm>> -> memref<1x128x64xf32, #tpu.memory_space<hbm>>
        %dma_wait3A_45 = tpu.memref_squeeze %dma_wait3A_44 : memref<1x128x64xf32, #tpu.memory_space<hbm>> -> memref<128x64xf32, #tpu.memory_space<hbm>>
        %dma_wait3A_46 = arith.constant 0 : i32
        %dma_wait3A_47 = tpu.memref_slice %arg5[%arg0, %add3A, %dma_wait3A_46] : memref<2x10240x64xf32, #tpu.memory_space<hbm>> -> memref<1x128x64xf32, #tpu.memory_space<hbm>>
        %dma_wait3A_48 = tpu.memref_squeeze %dma_wait3A_47 : memref<1x128x64xf32, #tpu.memory_space<hbm>> -> memref<128x64xf32, #tpu.memory_space<hbm>>
        tpu.wait_dma2 semaphore(%run_scoped3A : memref<!tpu.dma_semaphore, #tpu.memory_space<semaphore_mem>>) src(%arg8 : memref<128x64xf32, #tpu.memory_space<vmem>>) dst(%dma_wait3A_48 : memref<128x64xf32, #tpu.memory_space<hbm>>)
        tpu.yield
      }) : () -> ()
    }
    %scan3A_34 = arith.constant 5 : i32
    return
  }
}

module attributes {stable_mosaic.version = 14 : i64} {
  func.func @_tc0_body(%arg0: i32, %arg1: memref<1024x2xf32, #tpu.memory_space<vmem>>, %arg2: memref<1024x128xf32, #tpu.memory_space<vmem>>, %arg3: memref<1024x1xf32, #tpu.memory_space<vmem>>, %arg4: memref<2x1024x64xf32, #tpu.memory_space<vmem>>) attributes {dimension_semantics = [#tpu.dimension_semantics<arbitrary>], iteration_bounds = array<i64: 10>, scalar_prefetch = 0 : i64, scratch_operands = 0 : i64, tpu.core_type = #tpu.core_type<tc>, window_params = [{transform_indices = @transform_0, window_bounds = array<i64: 1024, 2>}, {transform_indices = @transform_1, window_bounds = array<i64: 1024, 128>}, {transform_indices = @transform_2, window_bounds = array<i64: 1024, 1>}, {transform_indices = @transform_3, window_bounds = array<i64: 2, 1024, 64>}]} {
    %get3A = arith.constant 0 : index
    %get3A_0 = arith.constant 0 : index
    %get3A_1 = vector.load %arg1[%get3A, %get3A_0] : memref<1024x2xf32, #tpu.memory_space<vmem>>, vector<1024x2xf32>
    %slice3A = vector.extract_strided_slice %get3A_1 {offsets = [0, 0], sizes = [1024, 1], strides = [1, 1]} : vector<1024x2xf32> to vector<1024x1xf32>
    %slice3A_2 = vector.extract_strided_slice %get3A_1 {offsets = [0, 1], sizes = [1024, 1], strides = [1, 1]} : vector<1024x2xf32> to vector<1024x1xf32>
    %add3A = arith.addf %slice3A, %slice3A_2 : vector<1024x1xf32>
    %add3A_3 = arith.constant 1.000000e+00 : f32
    %add3A_4 = vector.broadcast %add3A_3 : f32 to vector<1024x1xf32>
    %add3A_5 = arith.addf %add3A, %add3A_4 : vector<1024x1xf32>
    %rsqrt3A = math.rsqrt %add3A_5 : vector<1024x1xf32>
    %swap3A = arith.constant 0 : index
    %swap3A_6 = arith.constant 0 : index
    %swap3A_7 = vector.load %arg3[%swap3A, %swap3A_6] : memref<1024x1xf32, #tpu.memory_space<vmem>>, vector<1024x1xf32>
    tpu.vector_store %arg3[%swap3A, %swap3A_6], %rsqrt3A {strides = array<i32>} : memref<1024x1xf32, #tpu.memory_space<vmem>>, vector<1024x1xf32>,
    %get3A_8 = arith.constant 0 : index
    %get3A_9 = arith.constant 0 : index
    %get3A_10 = vector.load %arg2[%get3A_8, %get3A_9] : memref<1024x128xf32, #tpu.memory_space<vmem>>, vector<1024x128xf32>
    %mul3A = vector.broadcast %rsqrt3A : vector<1024x1xf32> to vector<1024x128xf32>
    %mul3A_11 = arith.mulf %get3A_10, %mul3A : vector<1024x128xf32>
    %slice3A_12 = vector.extract_strided_slice %mul3A_11 {offsets = [0, 0], sizes = [1024, 64], strides = [1, 1]} : vector<1024x128xf32> to vector<1024x64xf32>
    %swap3A_13 = arith.constant 0 : index
    %swap3A_14 = arith.constant 0 : index
    %swap3A_15 = arith.constant 0 : index
    %swap3A_16 = vector.load %arg4[%swap3A_13, %swap3A_14, %swap3A_15] : memref<2x1024x64xf32, #tpu.memory_space<vmem>>, vector<1x1024x64xf32>
    %swap3A_17 = vector.shape_cast %swap3A_16 : vector<1x1024x64xf32> to vector<1024x64xf32>
    %swap3A_18 = vector.shape_cast %slice3A_12 : vector<1024x64xf32> to vector<1x1024x64xf32>
    tpu.vector_store %arg4[%swap3A_13, %swap3A_14, %swap3A_15], %swap3A_18 {strides = array<i32>} : memref<2x1024x64xf32, #tpu.memory_space<vmem>>, vector<1x1024x64xf32>,
    %slice3A_19 = vector.extract_strided_slice %mul3A_11 {offsets = [0, 64], sizes = [1024, 64], strides = [1, 1]} : vector<1024x128xf32> to vector<1024x64xf32>
    %swap3A_20 = arith.constant 1 : index
    %swap3A_21 = arith.constant 0 : index
    %swap3A_22 = arith.constant 0 : index
    %swap3A_23 = vector.load %arg4[%swap3A_20, %swap3A_21, %swap3A_22] : memref<2x1024x64xf32, #tpu.memory_space<vmem>>, vector<1x1024x64xf32>
    %swap3A_24 = vector.shape_cast %swap3A_23 : vector<1x1024x64xf32> to vector<1024x64xf32>
    %swap3A_25 = vector.shape_cast %slice3A_19 : vector<1024x64xf32> to vector<1x1024x64xf32>
    tpu.vector_store %arg4[%swap3A_20, %swap3A_21, %swap3A_22], %swap3A_25 {strides = array<i32>} : memref<2x1024x64xf32, #tpu.memory_space<vmem>>, vector<1x1024x64xf32>,
    return
  }
  func.func @transform_0(%arg0: i32) -> (i32, i32) {
    %c0_i32 = arith.constant 0 : i32
    %c0_i32_0 = arith.constant 0 : i32
    return %arg0, %c0_i32 : i32, i32
  }
  func.func @transform_1(%arg0: i32) -> (i32, i32) {
    %c0_i32 = arith.constant 0 : i32
    %c0_i32_0 = arith.constant 0 : i32
    return %arg0, %c0_i32 : i32, i32
  }
  func.func @transform_2(%arg0: i32) -> (i32, i32) {
    %c0_i32 = arith.constant 0 : i32
    %c0_i32_0 = arith.constant 0 : i32
    return %arg0, %c0_i32 : i32, i32
  }
  func.func @transform_3(%arg0: i32) -> (i32, i32, i32) {
    %c0_i32 = arith.constant 0 : i32
    %c0_i32_0 = arith.constant 0 : i32
    %c0_i32_1 = arith.constant 0 : i32
    return %c0_i32, %arg0, %c0_i32_0 : i32, i32, i32
  }
}

module attributes {stable_mosaic.version = 14 : i64} {
  func.func @_tc1_body(%arg0: i32, %arg1: memref<2x1024x64xf32, #tpu.memory_space<vmem>>, %arg2: memref<2x1024x64xf32, #tpu.memory_space<vmem>>, %arg3: memref<1024x1xf32, #tpu.memory_space<vmem>>, %arg4: memref<128x256xf32, #tpu.memory_space<vmem>>, %arg5: memref<1x256xf32, #tpu.memory_space<vmem>>, %arg6: memref<256x128xf32, #tpu.memory_space<vmem>>, %arg7: memref<2x1024x64xf32, #tpu.memory_space<vmem>>) attributes {dimension_semantics = [#tpu.dimension_semantics<arbitrary>], iteration_bounds = array<i64: 10>, scalar_prefetch = 0 : i64, scratch_operands = 0 : i64, tpu.core_type = #tpu.core_type<tc>, window_params = [{transform_indices = @transform_0, window_bounds = array<i64: 2, 1024, 64>}, {transform_indices = @transform_1, window_bounds = array<i64: 2, 1024, 64>}, {transform_indices = @transform_2, window_bounds = array<i64: 1024, 1>}, {pipeline_mode = #tpu.pipeline_mode<synchronous>, transform_indices = @transform_3, window_bounds = array<i64: 128, 256>}, {pipeline_mode = #tpu.pipeline_mode<synchronous>, transform_indices = @transform_4, window_bounds = array<i64: 1, 256>}, {pipeline_mode = #tpu.pipeline_mode<synchronous>, transform_indices = @transform_5, window_bounds = array<i64: 256, 128>}, {transform_indices = @transform_6, window_bounds = array<i64: 2, 1024, 64>}]} {
    %get3A = arith.constant 0 : index
    %get3A_0 = arith.constant 0 : index
    %get3A_1 = vector.load %arg3[%get3A, %get3A_0] : memref<1024x1xf32, #tpu.memory_space<vmem>>, vector<1024x1xf32>
    %get3A_2 = arith.constant 0 : index
    %get3A_3 = arith.constant 0 : index
    %get3A_4 = arith.constant 0 : index
    %get3A_5 = vector.load %arg1[%get3A_2, %get3A_3, %get3A_4] : memref<2x1024x64xf32, #tpu.memory_space<vmem>>, vector<1x1024x64xf32>
    %get3A_6 = vector.shape_cast %get3A_5 : vector<1x1024x64xf32> to vector<1024x64xf32>
    %get3A_7 = arith.constant 0 : index
    %get3A_8 = arith.constant 0 : index
    %get3A_9 = arith.constant 0 : index
    %get3A_10 = vector.load %arg2[%get3A_7, %get3A_8, %get3A_9] : memref<2x1024x64xf32, #tpu.memory_space<vmem>>, vector<1x1024x64xf32>
    %get3A_11 = vector.shape_cast %get3A_10 : vector<1x1024x64xf32> to vector<1024x64xf32>
    %add3A = arith.addf %get3A_6, %get3A_11 : vector<1024x64xf32>
    %get3A_12 = arith.constant 1 : index
    %get3A_13 = arith.constant 0 : index
    %get3A_14 = arith.constant 0 : index
    %get3A_15 = vector.load %arg1[%get3A_12, %get3A_13, %get3A_14] : memref<2x1024x64xf32, #tpu.memory_space<vmem>>, vector<1x1024x64xf32>
    %get3A_16 = vector.shape_cast %get3A_15 : vector<1x1024x64xf32> to vector<1024x64xf32>
    %get3A_17 = arith.constant 1 : index
    %get3A_18 = arith.constant 0 : index
    %get3A_19 = arith.constant 0 : index
    %get3A_20 = vector.load %arg2[%get3A_17, %get3A_18, %get3A_19] : memref<2x1024x64xf32, #tpu.memory_space<vmem>>, vector<1x1024x64xf32>
    %get3A_21 = vector.shape_cast %get3A_20 : vector<1x1024x64xf32> to vector<1024x64xf32>
    %add3A_22 = arith.addf %get3A_16, %get3A_21 : vector<1024x64xf32>
    %concatenate3A = tpu.concatenate %add3A, %add3A_22 in 1 : vector<1024x64xf32>, vector<1024x64xf32> -> vector<1024x128xf32>
    %mul3A = vector.broadcast %get3A_1 : vector<1024x1xf32> to vector<1024x128xf32>
    %mul3A_23 = arith.mulf %concatenate3A, %mul3A : vector<1024x128xf32>
    %get3A_24 = arith.constant 0 : index
    %get3A_25 = arith.constant 0 : index
    %get3A_26 = vector.load %arg4[%get3A_24, %get3A_25] : memref<128x256xf32, #tpu.memory_space<vmem>>, vector<128x256xf32>
    %dot_general3A = arith.constant dense<0.000000e+00> : vector<1024x256xf32>
    %dot_general3A_27 = tpu.matmul %mul3A_23, %get3A_26, %dot_general3A {dimension_numbers = #tpu.dot_dimension_numbers<[1], [0], [0], [1], [0, 0, 1, 1], [], []>, transpose_lhs_hint = false} : vector<1024x128xf32>, vector<128x256xf32>, vector<1024x256xf32> -> vector<1024x256xf32>
    %get3A_28 = arith.constant 0 : index
    %get3A_29 = arith.constant 0 : index
    %get3A_30 = vector.load %arg5[%get3A_28, %get3A_29] : memref<1x256xf32, #tpu.memory_space<vmem>>, vector<1x256xf32>
    %add3A_31 = vector.broadcast %get3A_30 : vector<1x256xf32> to vector<1024x256xf32>
    %add3A_32 = arith.addf %dot_general3A_27, %add3A_31 : vector<1024x256xf32>
    %max3A = arith.constant 0.000000e+00 : f32
    %max3A_33 = vector.broadcast %max3A : f32 to vector<1024x256xf32>
    %max3A_34 = arith.maximumf %add3A_32, %max3A_33 : vector<1024x256xf32>
    %get3A_35 = arith.constant 0 : index
    %get3A_36 = arith.constant 0 : index
    %get3A_37 = vector.load %arg6[%get3A_35, %get3A_36] : memref<256x128xf32, #tpu.memory_space<vmem>>, vector<256x128xf32>
    %dot_general3A_38 = arith.constant dense<0.000000e+00> : vector<1024x128xf32>
    %dot_general3A_39 = tpu.matmul %max3A_34, %get3A_37, %dot_general3A_38 {dimension_numbers = #tpu.dot_dimension_numbers<[1], [0], [0], [1], [0, 0, 1, 1], [], []>, transpose_lhs_hint = false} : vector<1024x256xf32>, vector<256x128xf32>, vector<1024x128xf32> -> vector<1024x128xf32>
    %mul3A_40 = vector.broadcast %get3A_1 : vector<1024x1xf32> to vector<1024x128xf32>
    %mul3A_41 = arith.mulf %dot_general3A_39, %mul3A_40 : vector<1024x128xf32>
    %slice3A = vector.extract_strided_slice %mul3A_41 {offsets = [0, 0], sizes = [1024, 64], strides = [1, 1]} : vector<1024x128xf32> to vector<1024x64xf32>
    %swap3A = arith.constant 0 : index
    %swap3A_42 = arith.constant 0 : index
    %swap3A_43 = arith.constant 0 : index
    %swap3A_44 = vector.load %arg7[%swap3A, %swap3A_42, %swap3A_43] : memref<2x1024x64xf32, #tpu.memory_space<vmem>>, vector<1x1024x64xf32>
    %swap3A_45 = vector.shape_cast %swap3A_44 : vector<1x1024x64xf32> to vector<1024x64xf32>
    %swap3A_46 = vector.shape_cast %slice3A : vector<1024x64xf32> to vector<1x1024x64xf32>
    tpu.vector_store %arg7[%swap3A, %swap3A_42, %swap3A_43], %swap3A_46 {strides = array<i32>} : memref<2x1024x64xf32, #tpu.memory_space<vmem>>, vector<1x1024x64xf32>,
    %slice3A_47 = vector.extract_strided_slice %mul3A_41 {offsets = [0, 64], sizes = [1024, 64], strides = [1, 1]} : vector<1024x128xf32> to vector<1024x64xf32>
    %swap3A_48 = arith.constant 1 : index
    %swap3A_49 = arith.constant 0 : index
    %swap3A_50 = arith.constant 0 : index
    %swap3A_51 = vector.load %arg7[%swap3A_48, %swap3A_49, %swap3A_50] : memref<2x1024x64xf32, #tpu.memory_space<vmem>>, vector<1x1024x64xf32>
    %swap3A_52 = vector.shape_cast %swap3A_51 : vector<1x1024x64xf32> to vector<1024x64xf32>
    %swap3A_53 = vector.shape_cast %slice3A_47 : vector<1024x64xf32> to vector<1x1024x64xf32>
    tpu.vector_store %arg7[%swap3A_48, %swap3A_49, %swap3A_50], %swap3A_53 {strides = array<i32>} : memref<2x1024x64xf32, #tpu.memory_space<vmem>>, vector<1x1024x64xf32>,
    return
  }
  func.func @transform_0(%arg0: i32) -> (i32, i32, i32) {
    %c0_i32 = arith.constant 0 : i32
    %c0_i32_0 = arith.constant 0 : i32
    %c0_i32_1 = arith.constant 0 : i32
    return %c0_i32, %arg0, %c0_i32_0 : i32, i32, i32
  }
  func.func @transform_1(%arg0: i32) -> (i32, i32, i32) {
    %c0_i32 = arith.constant 0 : i32
    %c0_i32_0 = arith.constant 0 : i32
    %c0_i32_1 = arith.constant 0 : i32
    return %c0_i32, %arg0, %c0_i32_0 : i32, i32, i32
  }
  func.func @transform_2(%arg0: i32) -> (i32, i32) {
    %c0_i32 = arith.constant 0 : i32
    %c0_i32_0 = arith.constant 0 : i32
    return %arg0, %c0_i32 : i32, i32
  }
  func.func @transform_3(%arg0: i32) -> (i32, i32) {
    %c0_i32 = arith.constant 0 : i32
    %c0_i32_0 = arith.constant 0 : i32
    %c0_i32_1 = arith.constant 0 : i32
    return %c0_i32, %c0_i32_0 : i32, i32
  }
  func.func @transform_4(%arg0: i32) -> (i32, i32) {
    %c0_i32 = arith.constant 0 : i32
    %c0_i32_0 = arith.constant 0 : i32
    %c0_i32_1 = arith.constant 0 : i32
    return %c0_i32, %c0_i32_0 : i32, i32
  }
  func.func @transform_5(%arg0: i32) -> (i32, i32) {
    %c0_i32 = arith.constant 0 : i32
    %c0_i32_0 = arith.constant 0 : i32
    %c0_i32_1 = arith.constant 0 : i32
    return %c0_i32, %c0_i32_0 : i32, i32
  }
  func.func @transform_6(%arg0: i32) -> (i32, i32, i32) {
    %c0_i32 = arith.constant 0 : i32
    %c0_i32_0 = arith.constant 0 : i32
    %c0_i32_1 = arith.constant 0 : i32
    return %c0_i32, %arg0, %c0_i32_0 : i32, i32, i32
  }
}

module attributes {stable_mosaic.version = 14 : i64} {
  func.func @_tc2_body(%arg0: i32, %arg1: memref<2x1024x64xf32, #tpu.memory_space<vmem>>, %arg2: memref<2x1024x64xf32, #tpu.memory_space<vmem>>, %arg3: memref<1024x1xf32, #tpu.memory_space<vmem>>, %arg4: memref<1x128xf32, #tpu.memory_space<vmem>>, %arg5: memref<128x128xf32, #tpu.memory_space<vmem>>, %arg6: memref<1x128xf32, #tpu.memory_space<vmem>>, %arg7: memref<1024x128xf32, #tpu.memory_space<vmem>>, %arg8: memref<1024x128xf32, #tpu.memory_space<vmem>>) attributes {dimension_semantics = [#tpu.dimension_semantics<arbitrary>], iteration_bounds = array<i64: 10>, scalar_prefetch = 0 : i64, scratch_operands = 0 : i64, tpu.core_type = #tpu.core_type<tc>, window_params = [{transform_indices = @transform_0, window_bounds = array<i64: 2, 1024, 64>}, {transform_indices = @transform_1, window_bounds = array<i64: 2, 1024, 64>}, {transform_indices = @transform_2, window_bounds = array<i64: 1024, 1>}, {pipeline_mode = #tpu.pipeline_mode<synchronous>, transform_indices = @transform_3, window_bounds = array<i64: 1, 128>}, {pipeline_mode = #tpu.pipeline_mode<synchronous>, transform_indices = @transform_4, window_bounds = array<i64: 128, 128>}, {pipeline_mode = #tpu.pipeline_mode<synchronous>, transform_indices = @transform_5, window_bounds = array<i64: 1, 128>}, {transform_indices = @transform_6, window_bounds = array<i64: 1024, 128>}, {transform_indices = @transform_7, window_bounds = array<i64: 1024, 128>}]} {
    %get3A = arith.constant 0 : index
    %get3A_0 = arith.constant 0 : index
    %get3A_1 = arith.constant 0 : index
    %get3A_2 = vector.load %arg1[%get3A, %get3A_0, %get3A_1] : memref<2x1024x64xf32, #tpu.memory_space<vmem>>, vector<1x1024x64xf32>
    %get3A_3 = vector.shape_cast %get3A_2 : vector<1x1024x64xf32> to vector<1024x64xf32>
    %get3A_4 = arith.constant 0 : index
    %get3A_5 = arith.constant 0 : index
    %get3A_6 = arith.constant 0 : index
    %get3A_7 = vector.load %arg2[%get3A_4, %get3A_5, %get3A_6] : memref<2x1024x64xf32, #tpu.memory_space<vmem>>, vector<1x1024x64xf32>
    %get3A_8 = vector.shape_cast %get3A_7 : vector<1x1024x64xf32> to vector<1024x64xf32>
    %add3A = arith.addf %get3A_3, %get3A_8 : vector<1024x64xf32>
    %get3A_9 = arith.constant 1 : index
    %get3A_10 = arith.constant 0 : index
    %get3A_11 = arith.constant 0 : index
    %get3A_12 = vector.load %arg1[%get3A_9, %get3A_10, %get3A_11] : memref<2x1024x64xf32, #tpu.memory_space<vmem>>, vector<1x1024x64xf32>
    %get3A_13 = vector.shape_cast %get3A_12 : vector<1x1024x64xf32> to vector<1024x64xf32>
    %get3A_14 = arith.constant 1 : index
    %get3A_15 = arith.constant 0 : index
    %get3A_16 = arith.constant 0 : index
    %get3A_17 = vector.load %arg2[%get3A_14, %get3A_15, %get3A_16] : memref<2x1024x64xf32, #tpu.memory_space<vmem>>, vector<1x1024x64xf32>
    %get3A_18 = vector.shape_cast %get3A_17 : vector<1x1024x64xf32> to vector<1024x64xf32>
    %add3A_19 = arith.addf %get3A_13, %get3A_18 : vector<1024x64xf32>
    %concatenate3A = tpu.concatenate %add3A, %add3A_19 in 1 : vector<1024x64xf32>, vector<1024x64xf32> -> vector<1024x128xf32>
    %get3A_20 = arith.constant 0 : index
    %get3A_21 = arith.constant 0 : index
    %get3A_22 = vector.load %arg3[%get3A_20, %get3A_21] : memref<1024x1xf32, #tpu.memory_space<vmem>>, vector<1024x1xf32>
    %mul3A = vector.broadcast %get3A_22 : vector<1024x1xf32> to vector<1024x128xf32>
    %mul3A_23 = arith.mulf %concatenate3A, %mul3A : vector<1024x128xf32>
    %get3A_24 = arith.constant 0 : index
    %get3A_25 = arith.constant 0 : index
    %get3A_26 = vector.load %arg4[%get3A_24, %get3A_25] : memref<1x128xf32, #tpu.memory_space<vmem>>, vector<1x128xf32>
    %add3A_27 = vector.broadcast %get3A_26 : vector<1x128xf32> to vector<1024x128xf32>
    %add3A_28 = arith.addf %mul3A_23, %add3A_27 : vector<1024x128xf32>
    %swap3A = arith.constant 0 : index
    %swap3A_29 = arith.constant 0 : index
    %swap3A_30 = vector.load %arg7[%swap3A, %swap3A_29] : memref<1024x128xf32, #tpu.memory_space<vmem>>, vector<1024x128xf32>
    tpu.vector_store %arg7[%swap3A, %swap3A_29], %add3A_28 {strides = array<i32>} : memref<1024x128xf32, #tpu.memory_space<vmem>>, vector<1024x128xf32>,
    %get3A_31 = arith.constant 0 : index
    %get3A_32 = arith.constant 0 : index
    %get3A_33 = vector.load %arg5[%get3A_31, %get3A_32] : memref<128x128xf32, #tpu.memory_space<vmem>>, vector<128x128xf32>
    %dot_general3A = arith.constant dense<0.000000e+00> : vector<1024x128xf32>
    %dot_general3A_34 = tpu.matmul %add3A_28, %get3A_33, %dot_general3A {dimension_numbers = #tpu.dot_dimension_numbers<[1], [0], [0], [1], [0, 0, 1, 1], [], []>, transpose_lhs_hint = false} : vector<1024x128xf32>, vector<128x128xf32>, vector<1024x128xf32> -> vector<1024x128xf32>
    %get3A_35 = arith.constant 0 : index
    %get3A_36 = arith.constant 0 : index
    %get3A_37 = vector.load %arg6[%get3A_35, %get3A_36] : memref<1x128xf32, #tpu.memory_space<vmem>>, vector<1x128xf32>
    %add3A_38 = vector.broadcast %get3A_37 : vector<1x128xf32> to vector<1024x128xf32>
    %add3A_39 = arith.addf %dot_general3A_34, %add3A_38 : vector<1024x128xf32>
    %swap3A_40 = arith.constant 0 : index
    %swap3A_41 = arith.constant 0 : index
    %swap3A_42 = vector.load %arg8[%swap3A_40, %swap3A_41] : memref<1024x128xf32, #tpu.memory_space<vmem>>, vector<1024x128xf32>
    tpu.vector_store %arg8[%swap3A_40, %swap3A_41], %add3A_39 {strides = array<i32>} : memref<1024x128xf32, #tpu.memory_space<vmem>>, vector<1024x128xf32>,
    return
  }
  func.func @transform_0(%arg0: i32) -> (i32, i32, i32) {
    %c0_i32 = arith.constant 0 : i32
    %c0_i32_0 = arith.constant 0 : i32
    %c0_i32_1 = arith.constant 0 : i32
    return %c0_i32, %arg0, %c0_i32_0 : i32, i32, i32
  }
  func.func @transform_1(%arg0: i32) -> (i32, i32, i32) {
    %c0_i32 = arith.constant 0 : i32
    %c0_i32_0 = arith.constant 0 : i32
    %c0_i32_1 = arith.constant 0 : i32
    return %c0_i32, %arg0, %c0_i32_0 : i32, i32, i32
  }
  func.func @transform_2(%arg0: i32) -> (i32, i32) {
    %c0_i32 = arith.constant 0 : i32
    %c0_i32_0 = arith.constant 0 : i32
    return %arg0, %c0_i32 : i32, i32
  }
  func.func @transform_3(%arg0: i32) -> (i32, i32) {
    %c0_i32 = arith.constant 0 : i32
    %c0_i32_0 = arith.constant 0 : i32
    %c0_i32_1 = arith.constant 0 : i32
    return %c0_i32, %c0_i32_0 : i32, i32
  }
  func.func @transform_4(%arg0: i32) -> (i32, i32) {
    %c0_i32 = arith.constant 0 : i32
    %c0_i32_0 = arith.constant 0 : i32
    %c0_i32_1 = arith.constant 0 : i32
    return %c0_i32, %c0_i32_0 : i32, i32
  }
  func.func @transform_5(%arg0: i32) -> (i32, i32) {
    %c0_i32 = arith.constant 0 : i32
    %c0_i32_0 = arith.constant 0 : i32
    %c0_i32_1 = arith.constant 0 : i32
    return %c0_i32, %c0_i32_0 : i32, i32
  }
  func.func @transform_6(%arg0: i32) -> (i32, i32) {
    %c0_i32 = arith.constant 0 : i32
    %c0_i32_0 = arith.constant 0 : i32
    return %arg0, %c0_i32 : i32, i32
  }
  func.func @transform_7(%arg0: i32) -> (i32, i32) {
    %c0_i32 = arith.constant 0 : i32
    %c0_i32_0 = arith.constant 0 : i32
    return %arg0, %c0_i32 : i32, i32
  }
}

</mosaic_0001>

<sc_bundles>
// kernel: kernel.11.cloned.1.call-start
scs
__scs_entry_jumppad:
0x0: {  	(pc) =	sbr.rel $0x88, $3  }
0x1: {  	(tag) =	ssettag $0x0;
	lr =	simm.s32 $0x1  }
0x2: {  	[smem:$0x3F99] =	sst lr;
	_ =	strace $0xD0000000  }
0x3: {  	_ = 	snop  }
0x4: {  	_ = 	snop  }
0x5: {  	_ = 	snop  }
0x6: {  	_ = 	snop  }
0x7: {  	_ = 	snop  }
__scs_overlays_trampoline_lowered:
0x8: {  	[smem:$0x3FA8] =	sst s0  }
0x9: {  	[smem:$0x3FA9] =	sst s1  }
0xa: {  	[smem:$0x3FAA] =	sst s2  }
0xb: {  	[smem:$0x3FAB] =	sst s3  }
0xc: {  	[smem:$0x3FAC] =	sst s4  }
0xd: {  	[smem:$0x3FAD] =	sst s5  }
0xe: {  	[smem:$0x3FAE] =	sst s6  }
0xf: {  	[smem:$0x3FAF] =	sst s7  }
0x10: {  	[smem:$0x3FB0] =	sst s8  }
0x11: {  	[smem:$0x3FB1] =	sst s9;
	s0 =	simm.s32 @!p0 $0x0  }
0x12: {  	s1 =	sld [smem:$0x3F97];
	s0 =	simm.s32 @p0 $0x1  }
0x13: {  	[smem:$0x3FB2] =	sst s0;
	s0 =	simm.s32 @!p1 $0x0  }
0x14: {  	s2 =	sld [smem:$0x3F96];
	s0 =	simm.s32 @p1 $0x1  }
0x15: {  	[smem:$0x3FB3] =	sst s0;
	s0 =	simm.s32 @!p2 $0x0  }
0x16: {  	s3 =	sld [smem:$0x3FDB];
	s0 =	simm.s32 @p2 $0x1  }
0x17: {  	s4 =	simm.s32 $0x1BF5;
	[smem:$0x3FB5] =	sst s0  }
0x18: {  	s0 =	sld [smem:$0x3F98];
	_ =	swait.ge [sflag:s4], $0x0  }
0x19: {  	s7 =	sld [smem:$0x3F99]  }
0x1a: {  	s8 =	sadd.s32 $0xFFFFE003, lr  }
0x1b: {  	s9 =	sadd.s32 $0xFFFFFEF7, lr;
	s5 =	simm.s32 $0xFFFFFFFF;
	p2 =	slt.u32 s8, $0xFFFFF086  }
0x1c: {  	p1 =	slt.u32 s9, $0xF7A;
	s5 =	simm.s32 @!p2 $0x0  }
0x1d: {  	s5 =	simm.s32 @p1 $0x1;
	p0 =	seq.s32 s7, s2  }
0x1e: {  	s7 =	smul.u32 @!p0 $0xF7A, s2;
	p2 =	seq.s32 @!p0 s5, $0x0  }
0x1f: {  	s9 =	smul.u32 $0xF7A, s1;
	s8 =	simm.s32 @!p0 $0x1BF5;
	p2 =	por !p2, p0  }
0x20: {  	[sflag:s8] =	ssyncset.s32 @!p0 $0xFFFFF086;
	s6 =	sadd.s32 @!p0 s3, s7;
	s7 =	simm.s32 @!p0 $0x108  }
0x21: {  	s3 =	sadd.s32 s3, s9;
	s6 =	sadd.s32 @!p0 $0x88, s6;
	s7 =	simm.s32 @p2 $0x1082  }
0x22: {  	[simem:s7], [sflag:s8] =	dma.local @!p0 [hbm:s6], $0xF7A  }
0x23: {  	s9 =	sor.u32 $0xD0000000, s2;
	s6 =	simm.s32 $0x108;
	_ =	swait.ge @!p0 [sflag:s8], $0x0  }
0x24: {  	s3 =	sadd.s32 $0x88, s3;
	s6 =	simm.s32 @!p1 $0x1082;
	[sflag:s4] =	ssyncset.s32 $0xFFFFF086  }
0x25: {  	[simem:s6], [sflag:s4] =	dma.local [hbm:s3], $0xF7A  }
0x26: {  	[smem:$0x3F99] =	sst s1;
	(tag) =	ssettag s2;
	_ =	strace s9  }
0x27: {  	s1 =	sld [smem:$0x3FA9]  }
0x28: {  	s2 =	sld [smem:$0x3FAA]  }
0x29: {  	s4 =	sld [smem:$0x3FAC]  }
0x2a: {  	p0 =	seq.s32 s5, $0x0;
	s5 =	sld [smem:$0x3FAD]  }
0x2b: {  	s6 =	sld [smem:$0x3FAE]  }
0x2c: {  	s7 =	sld [smem:$0x3FAF]  }
0x2d: {  	s3 =	simm.s32 $0x108;
	s8 =	sld [smem:$0x3FB0]  }
0x2e: {  	s3 =	simm.s32 @!p0 $0x1082;
	s9 =	sld [smem:$0x3FB1]  }
0x2f: {  	lr =	sadd.s32 s0, s3;
	s0 =	sld [smem:$0x3FA8]  }
0x30: {  	s3 =	sld [smem:$0x3FAB]  }
0x31: {  	[smem:$0x3FB4] =	sst s10  }
0x32: {  	s10 =	sld [smem:$0x3FB2];
	_ =	sdelay $0x3  }
0x33: {  	p0 =	seq.s32 s10, $0x1;
	s10 =	sld [smem:$0x3FB4];
	_ =	sdelay $0x3  }
0x34: {  	[smem:$0x3FB4] =	sst s10  }
0x35: {  	s10 =	sld [smem:$0x3FB3];
	_ =	sdelay $0x3  }
0x36: {  	p1 =	seq.s32 s10, $0x1;
	s10 =	sld [smem:$0x3FB4];
	_ =	sdelay $0x3  }
0x37: {  	[smem:$0x3FB4] =	sst s10  }
0x38: {  	s10 =	sld [smem:$0x3FB5]  }
0x39: {  	_ = 	snop;
	(pc) =	sbr.ind lr, $3  }
0x3a: {  	_ = 	snop  }
0x3b: {  	_ = 	snop  }
0x3c: {  	p2 =	seq.s32 s10, $0x1;
	s10 =	sld [smem:$0x3FB4]  }
0x3d: {  	_ =	shalt  }
0x3e: {  	_ =	shalt  }
0x3f: {  	_ =	shalt  }
0x40: {  	_ =	shalt  }
0x41: {  	_ =	shalt  }
0x42: {  	_ =	shalt  }
0x43: {  	_ =	shalt  }
0x44: {  	_ =	shalt  }
0x45: {  	_ =	shalt  }
0x46: {  	_ =	shalt  }
0x47: {  	_ =	shalt  }
0x48: {  	_ =	shalt  }
0x49: {  	_ =	shalt  }
0x4a: {  	_ =	shalt  }
0x4b: {  	_ =	shalt  }
0x4c: {  	_ =	shalt  }
0x4d: {  	_ =	shalt  }
0x4e: {  	_ =	shalt  }
0x4f: {  	_ =	shalt  }
0x50: {  	_ =	shalt  }
0x51: {  	_ =	shalt  }
0x52: {  	_ =	shalt  }
0x53: {  	_ =	shalt  }
0x54: {  	_ =	shalt  }
0x55: {  	_ =	shalt  }
0x56: {  	_ =	shalt  }
0x57: {  	_ =	shalt  }
0x58: {  	_ =	shalt  }
0x59: {  	_ =	shalt  }
0x5a: {  	_ =	shalt  }
0x5b: {  	_ =	shalt  }
0x5c: {  	_ =	shalt  }
0x5d: {  	_ =	shalt  }
0x5e: {  	_ =	shalt  }
0x5f: {  	_ =	shalt  }
0x60: {  	_ =	shalt  }
0x61: {  	_ =	shalt  }
0x62: {  	_ =	shalt  }
0x63: {  	_ =	shalt  }
0x64: {  	_ =	shalt  }
0x65: {  	_ =	shalt  }
0x66: {  	_ =	shalt  }
0x67: {  	_ =	shalt  }
0x68: {  	_ =	shalt  }
0x69: {  	_ =	shalt  }
0x6a: {  	_ =	shalt  }
0x6b: {  	_ =	shalt  }
0x6c: {  	_ =	shalt  }
0x6d: {  	_ =	shalt  }
0x6e: {  	_ =	shalt  }
0x6f: {  	_ =	shalt  }
0x70: {  	_ =	shalt  }
0x71: {  	_ =	shalt  }
0x72: {  	_ =	shalt  }
0x73: {  	_ =	shalt  }
0x74: {  	_ =	shalt  }
0x75: {  	_ =	shalt  }
0x76: {  	_ =	shalt  }
0x77: {  	_ =	shalt  }
0x78: {  	_ =	shalt  }
0x79: {  	_ =	shalt  }
0x7a: {  	_ =	shalt  }
0x7b: {  	_ =	shalt  }
0x7c: {  	_ =	shalt  }
0x7d: {  	_ =	shalt  }
0x7e: {  	_ =	shalt  }
0x7f: {  	_ =	shalt  }
0x80: {  	_ =	shalt  }
0x81: {  	_ =	shalt  }
0x82: {  	_ =	shalt  }
0x83: {  	_ =	shalt  }
0x84: {  	_ =	shalt  }
0x85: {  	_ =	shalt  }
0x86: {  	_ =	shalt  }
0x87: {  	_ =	shalt  }
.Lfunc_end0:
.L_simem_size_0:
called_computation.1_lowered:
.L_overlay_start_0:
0x88: {  	s2 =	sld [smem:$0x3FD9]  }
0x89: {  	s3 =	sld [smem:$0x3FFE];
	_ =	sdelay $0x1  }
0x8a: {  	s1 =	srdreg.scid  }
0x8b: {  	s0 =	sand.u32 $0x1, s1  }
0x8c: {  	s14 =	sshll.u32 s0, $0xA;
	s2 =	sadd.s32 s3, s2  }
0x8d: {  	s2 =	sadd.s32 s2, s14  }
0x8e: {  	[smem:$0x3FC0] =	sst s2  }
0x8f: {  	_ = 	snop  }
0x90: {  	s2 =	sld [smem:$0x3FD0];
	_ =	sdelay $0x2  }
0x91: {  	s15 =	simm.s32 $0xA;
	s4 =	simm.s32 $0x10  }
0x92: {  	[smem:s4], [sflag:s15] =	dma.local [hbm:s2], $0x1  }
0x93: {  	_ =	swait.eq [sflag:s15], $0x1  }
0x94: {  	[sflag:s15] =	ssyncset.done $0x0  }
0x95: {  	[sflag:s15] =	ssyncadd.s32 $0xFFFFFFFF  }
0x96: {  	s16 =	sld [smem:$0x10];
	(tm) =	ssettm $0x1  }
0x97: {  	s17 =	sld [smem:$0x3FFB];
	_ =	sdelay $0x3  }
0x98: {  	_ =	strace s17  }
0x99: {  	s3 =	sld [smem:$0x3FFC];
	_ =	sdelay $0x3  }
0x9a: {  	_ =	strace s3  }
0x9b: {  	s3 =	sld [smem:$0x3FFD];
	_ =	sdelay $0x3  }
0x9c: {  	_ =	strace s3  }
0x9d: {  	_ =	strace $0x8FFFFFFF  }
0x9e: {  	s18 =	sld [smem:$0x3FDB];
	_ =	sdelay $0x1  }
0x9f: {  	s19 =	simm.s32 $_scs_section_size  }
0xa0: {  	s5 =	simm.s32 $_size__tile_overlayer_lowered;
	s6 =	simm.s32 $_tile_overlayer_lowered  }
0xa1: {  	s22 =	simm.s32 $0x1BFF;
	s21 =	sshll.u32 s6, $0x1;
	s3 =	sadd.s32 s19, s18  }
0xa2: {  	s7 =	simm.s32 $0x0;
	s20 =	sshll.u32 s5, $0x1;
	s5 =	sadd.s32 s21, s3  }
0xa3: {  	[timem:s7], [sflag:s22] =	dma.local [hbm:s5], s20  }
0xa4: {  	_ =	swait.ge [sflag:s22], s20  }
0xa5: {  	s4 =	ssub.s32 $0x0, s20;
	[sflag:s22] =	ssyncset.done $0x0  }
0xa6: {  	[sflag:s22] =	ssyncadd.s32 s4;
	_ =	sdelay $0x1  }
0xa7: {  	s23 =	simm.s32 $0x1B8B  }
0xa8: {  	_ =	swait.ge [sflag:s23], $0x1  }
0xa9: {  	[sflag:s23] =	ssyncset.done $0x0  }
0xaa: {  	s25 =	simm.s32 $0x1B8E;
	s24 =	sld [smem:$0x3FFE];
	[sflag:s23] =	ssyncadd.s32 $0xFFFFFFFF  }
0xab: {  	s26 =	simm.s32 $execute0_lowered;
	[smem:$0x3FD2] =	sst s25  }
0xac: {  	s5 =	sshll.u32 s26, $0x1;
	_ =	strace $0x80000049;
	[dreg:$0x1] =	wrdreg $0xFFFFFFFF  }
0xad: {  	s28 =	simm.s32 $_size_execute0_lowered;
	s3 =	sadd.s32 s3, s5;
	[dreg:$0x0] =	wrdreg $0x0  }
0xae: {  	s5 =	sshll.u32 s28, $0x1;
	[dreg:$0x2] =	wrdreg s3  }
0xaf: {  	[dreg:$0x3] =	wrdreg s5  }
0xb0: {  	[dreg:$0x4] =	wrdreg $0xC0  }
0xb1: {  	_ =	task [dreg:s7], $0x5FFFF  }
0xb2: {  	[dreg:$0x1] =	wrdreg $0xFFFFFFFF  }
0xb3: {  	[dreg:$0x0] =	wrdreg $0x60  }
0xb4: {  	[dreg:$0x2] =	wrdreg s24  }
0xb5: {  	[dreg:$0x3] =	wrdreg s16  }
0xb6: {  	[dreg:$0x4] =	wrdreg $0xDE000  }
0xb7: {  	[dreg:$0x5] =	wrdreg $0x9  }
0xb8: {  	_ =	task.clear_ibuf [dreg:s7], $0x6FFFF;
	_ =	strace $0x90000049  }
0xb9: {  	s29 =	simm.s32 $0x9;
	_ =	strace $0x8000004B  }
0xba: {  	_ =	swait.ge [sflag:s29], $0x1  }
0xbb: {  	[sflag:s29] =	ssyncadd.s32 $0xFFFFFFFF  }
0xbc: {  	_ =	strace $0x9000004B  }
0xbd: {  	_ =	sfence  }
0xbe: {  	s30 =	sld [smem:$0x0];
	_ =	sdelay $0x2  }
0xbf: {  	s31 =	sshll.u32 s1, $0xD;
	s1 =	sshrl.u32 s1, $0x2  }
0xc0: {  	s3 =	sand.u32 $0x4000, s31;
	s1 =	sadd.s32 s1, s30  }
0xc1: {  	s0 =	sor.u32 s3, s0;
	s1 =	sshll.u32 s1, $0x11  }
0xc2: {  	s0 =	sor.u32 s1, s0  }
0xc3: {  	s0 =	sadd.s32 $0x8F2B, s0  }
0xc4: {  	[sflag:s0] =	ssyncadd.remote.s32 $0x1  }
0xc5: {  	_ =	sfence.sel $0xFFFF  }
0xc6: {  	[dreg:$0x0] =	wrdreg $0xFFFFFFFF;
	(pc) =	sbr.abs _section_cstart, $3  }
0xc7: {  	[dreg:$0x1] =	wrdreg $0xFFFFFFFF  }
0xc8: {  	_ =	task.clear_ibuf [dreg:s7], $0x2FFFF;
	_ =	strace $0x9FFFFFFF  }
0xc9: {  	(tm) =	ssettm $0x7FFFFFFF  }
tec
execute0_lowered:
.L_overlay_start_1:
0x0: {  	(tag) =	ssettag $0x1  }
0x1: {  	s0 =	rddreg [dreg:$0x0];
	s1 =	srdreg.scid  }
0x2: {  	s4 =	rddreg [dreg:$0x1];
	s10 =	stileid.u32  }
0x3: {  	s2 =	rddreg [dreg:$0x2];
	s6 =	smul.u32 $0x9E0, s10  }
0x4: {  	s3 =	simm.s32 $0x0;
	s28 =	simm.s32 $0xBE00;
	s9 =	smul.u32 $0x28000, s10  }
0x5: {  	s29 =	simm.s32 $0x1;
	s1 =	sand.u32 $0x1, s1;
	s19 =	smul.u32 $0xA000, s10  }
0x6: {  	s30 =	simm.s32 $0x2;
	[smem:$0x7FF] =	sst s3;
	s20 =	smul.u32 $0xA0000, s1  }
0x7: {  	_ =	strace $0x8000004A;
	s1 =	ssub.s32 $0x2, s1;
	s18 =	sadd.s32 s6, s0  }
0x8: {  	s8 =	sshrl.u32 s1, $0x1;
	s4 =	sadd.s32 s4, s6;
	s22 =	sshrl.u32 s9, $0x2  }
0x9: {  	s15 =	sadd.s32 $0x2000, s19;
	s17 =	sadd.s32 $0x4000, s19;
	s5 =	sshrl.u32 s20, $0x3  }
0xa: {  	s1 =	ssub.s32 s1, s8;
	[dreg:$0x4] =	wrdreg s4;
	s21 =	sadd.s32 $0x2800, s18  }
0xb: {  	s6 =	sadd.s32 s22, s2;
	s8 =	sadd.s32 s19, s2;
	s23 =	sadd.s32 s20, s19  }
0xc: {  	s16 =	sadd.s32 s20, s15;
	s15 =	sadd.s32 s15, s2;
	s25 =	sadd.s32 s20, s17  }
0xd: {  	s17 =	sadd.s32 s17, s2;
	s22 =	sadd.s32 $0x8000, s19;
	s7 =	sadd.s32 s5, s0  }
0xe: {  	s0 =	sadd.s32 $0x84600, s0;
	[dreg:$0x5] =	wrdreg s21;
	s9 =	smax.u32 s1, $0x1  }
0xf: {  	s10 =	sadd.s32 $0x2000, s6;
	s11 =	sadd.s32 $0x4000, s6;
	s12 =	sadd.s32 $0x6000, s6  }
0x10: {  	s13 =	sadd.s32 $0x8000, s6;
	s1 =	sshrl.u32 s23, $0x3;
	s24 =	sshrl.u32 s16, $0x3  }
0x11: {  	s21 =	sadd.s32 $0x6000, s19;
	s23 =	sadd.s32 s20, s22;
	s7 =	sadd.s32 $0x5C600, s7  }
0x12: {  	s14 =	sadd.s32 s0, s1;
	s16 =	sadd.s32 s0, s24;
	s1 =	sshrl.u32 s25, $0x3  }
0x13: {  	s26 =	sadd.s32 s20, s21;
	s19 =	sadd.s32 s21, s2;
	s21 =	sadd.s32 s22, s2  }
0x14: {  	s31 =	sshrl.u32 s23, $0x3;
	s23 =	simm.s32 $0x3;
	s25 =	simm.s32 $0x9E00  }
0x15: {  	s24 =	simm.s32 $0x0;
	s18 =	sadd.s32 s0, s1;
	s1 =	sshrl.u32 s26, $0x3  }
0x16: {  	v0 =	vimm.f32 $0.0e+00;
	s22 =	sadd.s32 s0, s31;
	s26 =	simm.s32 $0x80;
	s20 =	sadd.s32 s0, s1  }
.LBB2_1:
0x17: {  	s0 =	rddreg [dreg:$0x4]  }
0x18: {  	[tilespmem:s3], [sflag:$0x3] =	stream.linear.gather [hbm4b:s0+s3], $0x4F00, $0x38;
	[tilespmem:$0x17E00] =	vst v63  }
0x19: {  	_ =	swait.ge [sflag:s23], $0x4F00  }
0x1a: {  	[sflag:s23] =	ssyncset.done $0x0  }
0x1b: {  	s1 =	simm.s32 $0x4F00;
	s5 =	rddreg [dreg:$0x5];
	[sflag:s23] =	ssyncadd.s32 $0xFFFFB100  }
0x1c: {  	[tilespmem:s1], [sflag:$0x3] =	stream.linear.gather [hbm4b:s5+s3], $0x4F00, $0x38;
	[tilespmem:$0x17E00] =	vst v63  }
0x1d: {  	s4 =	sand.u32 $0x7F00, s3;
	s31 =	simm.s32 $0x40;
	_ =	swait.ge [sflag:s23], $0x4F00  }
0x1e: {  	s0 =	sshrl.u32 s4, $0x2;
	s5 =	sand.u32 $0x30, s3;
	[sflag:s23] =	ssyncset.done $0x0  }
0x1f: {  	s1 =	sor.u32 s5, s0;
	s0 =	simm.s32 $0x0;
	[sflag:s23] =	ssyncadd.s32 $0xFFFFB100  }
.LBB2_2:
0x20: {  	p0 =	sne.s32 s31, $0x7FC0  }
0x21: {  	[tilespmem:s1+$0x9E00] =	vst v0;
	s0 =	sadd.s32 $0x10, s0;
	s1 =	smov.u32 s31;
	s31 =	sadd.s32 $0x40, s31  }
.Ltmp0:
0x22: {  	(pc) =	sbr.rel @p0 .LBB2_2-.Ltmp0, $4  }
0x23: {  	_ = 	snop  }
0x24: {  	s1 =	sand.u32 $0x7F00, s1  }
0x25: {  	s4 =	sand.u32 $0x30, s0;
	s1 =	sshrl.u32 s1, $0x2  }
0x26: {  	s1 =	sor.u32 s4, s1  }
0x27: {  	[tilespmem:s1+$0x9E00] =	vst v0  }
0x28: {  	[spmem:s6] =	stream.linear.scatter [tilespmem:s25], [sflag:$0x3], $0x2000, $0x38;
	[tilespmem:$0x17E00] =	vst v63  }
0x29: {  	_ =	swait.ge [sflag:s23], $0x2000  }
0x2a: {  	[sflag:s23] =	ssyncset.done $0x0  }
0x2b: {  	[sflag:s23] =	ssyncadd.s32 $0xFFFFE000  }
0x2c: {  	[spmem:s10] =	stream.linear.scatter [tilespmem:s25], [sflag:$0x3], $0x2000, $0x38;
	[tilespmem:$0x17E00] =	vst v63  }
0x2d: {  	_ =	swait.ge [sflag:s23], $0x2000  }
0x2e: {  	[sflag:s23] =	ssyncset.done $0x0  }
0x2f: {  	[sflag:s23] =	ssyncadd.s32 $0xFFFFE000  }
0x30: {  	[spmem:s11] =	stream.linear.scatter [tilespmem:s25], [sflag:$0x3], $0x2000, $0x38;
	[tilespmem:$0x17E00] =	vst v63  }
0x31: {  	_ =	swait.ge [sflag:s23], $0x2000  }
0x32: {  	[sflag:s23] =	ssyncset.done $0x0  }
0x33: {  	[sflag:s23] =	ssyncadd.s32 $0xFFFFE000  }
0x34: {  	[spmem:s12] =	stream.linear.scatter [tilespmem:s25], [sflag:$0x3], $0x2000, $0x38;
	[tilespmem:$0x17E00] =	vst v63  }
0x35: {  	_ =	swait.ge [sflag:s23], $0x2000  }
0x36: {  	[sflag:s23] =	ssyncset.done $0x0  }
0x37: {  	[sflag:s23] =	ssyncadd.s32 $0xFFFFE000  }
0x38: {  	[spmem:s13] =	stream.linear.scatter [tilespmem:s25], [sflag:$0x3], $0x2000, $0x38;
	[tilespmem:$0x17E00] =	vst v63  }
0x39: {  	_ =	swait.ge [sflag:s23], $0x2000  }
0x3a: {  	[sflag:s23] =	ssyncset.done $0x0  }
0x3b: {  	[sflag:s23] =	ssyncadd.s32 $0xFFFFE000  }
0x3c: {  	s0 =	simm.s32 $0x0;
	[bflag:$0x0] =	sbarrier.arrive $0xFFFF  }
0x3d: {  	[tilespmem:s25], [sflag:$0x1] =	stream.indirect.gather [hbm4b:s7+s26], $0x40, s0, s26, $0xb8;
	[tilespmem:$0x17E00] =	vst v63  }
0x3e: {  	s5 =	simm.s32 $0x80  }
0x3f: {  	[tilespmem:s28], [sflag:$0x2] =	stream.indirect.gather [hbm4b:s7+s26], $0x40, s5, s26, $0xb8;
	[tilespmem:$0x17E00] =	vst v63  }
0x40: {  	_ =	swait.ge [sflag:s29], $0x2000  }
0x41: {  	[sflag:s29] =	ssyncset.done $0x0  }
0x42: {  	s1 =	simm.s32 $0x4F00;
	[sflag:s29] =	ssyncadd.s32 $0xFFFFE000  }
0x43: {  	[spmem:s2] =	stream.indirect.scatter.add.f32 [tilespmem:s25], [sflag:$0x3], $0x40, s1, s26, $0xb8;
	[tilespmem:$0x17E00] =	vst v63  }
0x44: {  	_ =	swait.ge [sflag:s23], $0x2000  }
0x45: {  	[sflag:s23] =	ssyncset.done $0x0  }
0x46: {  	s4 =	simm.s32 $0x100;
	[sflag:s23] =	ssyncadd.s32 $0xFFFFE000  }
0x47: {  	[tilespmem:s25], [sflag:$0x1] =	stream.indirect.gather [hbm4b:s7+s26], $0x40, s4, s26, $0xb8;
	[tilespmem:$0x17E00] =	vst v63  }
0x48: {  	_ =	swait.ge [sflag:s30], $0x2000  }
0x49: {  	[sflag:s30] =	ssyncset.done $0x0  }
0x4a: {  	s5 =	simm.s32 $0x4F80;
	[sflag:s30] =	ssyncadd.s32 $0xFFFFE000  }
0x4b: {  	[spmem:s2] =	stream.indirect.scatter.add.f32 [tilespmem:s28], [sflag:$0x3], $0x40, s5, s26, $0xb8;
	[tilespmem:$0x17E00] =	vst v63  }
0x4c: {  	_ =	swait.ge [sflag:s23], $0x2000  }
0x4d: {  	s31 =	simm.s32 $0x100;
	s0 =	simm.s32 $0x800;
	[sflag:s23] =	ssyncset.done $0x0  }
.LBB2_4:
0x4e: {  	s1 =	sadd.s32 $0x80, s31  }
0x4f: {  	[sflag:s23] =	ssyncadd.s32 $0xFFFFE000;
	s4 =	smov.u32 s0;
	s5 =	sadd.s32 $0x400, s0  }
0x50: {  	[tilespmem:s28], [sflag:$0x2] =	stream.indirect.gather [hbm4b:s7+s26], $0x40, s1, s26, $0xb8;
	[tilespmem:$0x17E00] =	vst v63  }
0x51: {  	p0 =	sne.s32 s0, $0x13400;
	_ =	swait.ge [sflag:s29], $0x2000  }
0x52: {  	[sflag:s29] =	ssyncset.done $0x0  }
0x53: {  	s0 =	sadd.s32 $0x4F00, s31;
	[sflag:s29] =	ssyncadd.s32 $0xFFFFE000  }
0x54: {  	[spmem:s2] =	stream.indirect.scatter.add.f32 [tilespmem:s25], [sflag:$0x3], $0x40, s0, s26, $0xb8;
	[tilespmem:$0x17E00] =	vst v63  }
0x55: {  	_ =	swait.ge [sflag:s23], $0x2000  }
0x56: {  	[sflag:s23] =	ssyncset.done $0x0  }
0x57: {  	s0 =	sadd.s32 $0x100, s31;
	[sflag:s23] =	ssyncadd.s32 $0xFFFFE000  }
0x58: {  	[tilespmem:s25], [sflag:$0x1] =	stream.indirect.gather [hbm4b:s7+s26], $0x40, s0, s26, $0xb8;
	[tilespmem:$0x17E00] =	vst v63  }
0x59: {  	_ =	swait.ge [sflag:s30], $0x2000  }
.Ltmp1:
0x5a: {  	[sflag:s30] =	ssyncset.done $0x0;
	(pc) =	sbr.rel @p0 .LBB2_4-.Ltmp1, $4  }
0x5b: {  	s0 =	sadd.s32 $0x4F80, s31;
	[sflag:s30] =	ssyncadd.s32 $0xFFFFE000  }
0x5c: {  	[spmem:s2] =	stream.indirect.scatter.add.f32 [tilespmem:s28], [sflag:$0x3], $0x40, s0, s26, $0xb8;
	[tilespmem:$0x17E00] =	vst v63  }
0x5d: {  	_ =	swait.ge [sflag:s23], $0x2000  }
0x5e: {  	s31 =	sshra.s32 s4, $0x2;
	s0 =	smov.u32 s5;
	[sflag:s23] =	ssyncset.done $0x0  }
0x5f: {  	s0 =	sadd.s32 $0x80, s31;
	[sflag:s23] =	ssyncadd.s32 $0xFFFFE000  }
0x60: {  	[tilespmem:s28], [sflag:$0x2] =	stream.indirect.gather [hbm4b:s7+s26], $0x40, s0, s26, $0xb8;
	[tilespmem:$0x17E00] =	vst v63  }
0x61: {  	_ =	swait.ge [sflag:s29], $0x2000  }
0x62: {  	[sflag:s29] =	ssyncset.done $0x0  }
0x63: {  	s4 =	sadd.s32 $0x4F00, s31;
	[sflag:s29] =	ssyncadd.s32 $0xFFFFE000  }
0x64: {  	[spmem:s2] =	stream.indirect.scatter.add.f32 [tilespmem:s25], [sflag:$0x3], $0x40, s4, s26, $0xb8;
	[tilespmem:$0x17E00] =	vst v63  }
0x65: {  	_ =	swait.ge [sflag:s23], $0x2000  }
0x66: {  	[sflag:s23] =	ssyncset.done $0x0  }
0x67: {  	s5 =	sadd.s32 $0x100, s31;
	[sflag:s23] =	ssyncadd.s32 $0xFFFFE000  }
0x68: {  	[tilespmem:s25], [sflag:$0x1] =	stream.indirect.gather [hbm4b:s7+s26], $0x40, s5, s26, $0xb8;
	[tilespmem:$0x17E00] =	vst v63  }
0x69: {  	_ =	swait.ge [sflag:s30], $0x2000  }
0x6a: {  	[sflag:s30] =	ssyncset.done $0x0  }
0x6b: {  	s1 =	sadd.s32 $0x4F80, s31;
	[sflag:s30] =	ssyncadd.s32 $0xFFFFE000  }
0x6c: {  	[spmem:s2] =	stream.indirect.scatter.add.f32 [tilespmem:s28], [sflag:$0x3], $0x40, s1, s26, $0xb8;
	[tilespmem:$0x17E00] =	vst v63  }
0x6d: {  	_ =	swait.ge [sflag:s23], $0x2000  }
0x6e: {  	[sflag:s23] =	ssyncset.done $0x0  }
0x6f: {  	s4 =	simm.s32 $0x4E80;
	[sflag:s23] =	ssyncadd.s32 $0xFFFFE000  }
0x70: {  	[tilespmem:s28], [sflag:$0x2] =	stream.indirect.gather [hbm4b:s7+s26], $0x40, s4, s26, $0xb8;
	[tilespmem:$0x17E00] =	vst v63  }
0x71: {  	_ =	swait.ge [sflag:s29], $0x2000  }
0x72: {  	[sflag:s29] =	ssyncset.done $0x0  }
0x73: {  	s5 =	simm.s32 $0x9D00;
	[sflag:s29] =	ssyncadd.s32 $0xFFFFE000  }
0x74: {  	[spmem:s2] =	stream.indirect.scatter.add.f32 [tilespmem:s25], [sflag:$0x3], $0x40, s5, s26, $0xb8;
	[tilespmem:$0x17E00] =	vst v63  }
0x75: {  	_ =	swait.ge [sflag:s23], $0x2000  }
0x76: {  	[sflag:s23] =	ssyncset.done $0x0  }
0x77: {  	[sflag:s23] =	ssyncadd.s32 $0xFFFFE000  }
0x78: {  	_ =	swait.ge [sflag:s30], $0x2000  }
0x79: {  	[sflag:s30] =	ssyncset.done $0x0  }
0x7a: {  	s31 =	simm.s32 $0x9D80;
	[sflag:s30] =	ssyncadd.s32 $0xFFFFE000  }
0x7b: {  	[spmem:s2] =	stream.indirect.scatter.add.f32 [tilespmem:s28], [sflag:$0x3], $0x40, s31, s26, $0xb8;
	[tilespmem:$0x17E00] =	vst v63  }
0x7c: {  	_ =	swait.ge [sflag:s23], $0x2000  }
0x7d: {  	[sflag:s23] =	ssyncset.done $0x0  }
0x7e: {  	[sflag:s23] =	ssyncadd.s32 $0xFFFFE000  }
0x7f: {  	[bflag:$0x0] =	sbarrier.arrive $0xFFFF  }
0x80: {  	[tilespmem:s25], [sflag:$0x3] =	stream.linear.gather [spmem:s8], $0x2000, $0x38;
	[tilespmem:$0x17E00] =	vst v63  }
0x81: {  	_ =	swait.ge [sflag:s23], $0x2000  }
0x82: {  	[sflag:s23] =	ssyncset.done $0x0  }
0x83: {  	[sflag:s23] =	ssyncadd.s32 $0xFFFFE000  }
0x84: {  	[hbm4b:s14+s3] =	stream.linear.scatter [tilespmem:s25], [sflag:$0x3], $0x2000, $0x38;
	[tilespmem:$0x17E00] =	vst v63  }
0x85: {  	_ =	swait.ge [sflag:s23], $0x2000  }
0x86: {  	[sflag:s23] =	ssyncset.done $0x0  }
0x87: {  	[sflag:s23] =	ssyncadd.s32 $0xFFFFE000  }
0x88: {  	[tilespmem:s25], [sflag:$0x3] =	stream.linear.gather [spmem:s15], $0x2000, $0x38;
	[tilespmem:$0x17E00] =	vst v63  }
0x89: {  	_ =	swait.ge [sflag:s23], $0x2000  }
0x8a: {  	[sflag:s23] =	ssyncset.done $0x0  }
0x8b: {  	[sflag:s23] =	ssyncadd.s32 $0xFFFFE000  }
0x8c: {  	[hbm4b:s16+s3] =	stream.linear.scatter [tilespmem:s25], [sflag:$0x3], $0x2000, $0x38;
	[tilespmem:$0x17E00] =	vst v63  }
0x8d: {  	_ =	swait.ge [sflag:s23], $0x2000  }
0x8e: {  	[sflag:s23] =	ssyncset.done $0x0  }
0x8f: {  	[sflag:s23] =	ssyncadd.s32 $0xFFFFE000  }
0x90: {  	[tilespmem:s25], [sflag:$0x3] =	stream.linear.gather [spmem:s17], $0x2000, $0x38;
	[tilespmem:$0x17E00] =	vst v63  }
0x91: {  	_ =	swait.ge [sflag:s23], $0x2000  }
0x92: {  	[sflag:s23] =	ssyncset.done $0x0  }
0x93: {  	[sflag:s23] =	ssyncadd.s32 $0xFFFFE000  }
0x94: {  	[hbm4b:s18+s3] =	stream.linear.scatter [tilespmem:s25], [sflag:$0x3], $0x2000, $0x38;
	[tilespmem:$0x17E00] =	vst v63  }
0x95: {  	_ =	swait.ge [sflag:s23], $0x2000  }
0x96: {  	[sflag:s23] =	ssyncset.done $0x0  }
0x97: {  	[sflag:s23] =	ssyncadd.s32 $0xFFFFE000  }
0x98: {  	[tilespmem:s25], [sflag:$0x3] =	stream.linear.gather [spmem:s19], $0x2000, $0x38;
	[tilespmem:$0x17E00] =	vst v63  }
0x99: {  	_ =	swait.ge [sflag:s23], $0x2000  }
0x9a: {  	[sflag:s23] =	ssyncset.done $0x0  }
0x9b: {  	[sflag:s23] =	ssyncadd.s32 $0xFFFFE000  }
0x9c: {  	[hbm4b:s20+s3] =	stream.linear.scatter [tilespmem:s25], [sflag:$0x3], $0x2000, $0x38;
	[tilespmem:$0x17E00] =	vst v63  }
0x9d: {  	_ =	swait.ge [sflag:s23], $0x2000  }
0x9e: {  	[sflag:s23] =	ssyncset.done $0x0  }
0x9f: {  	[sflag:s23] =	ssyncadd.s32 $0xFFFFE000  }
0xa0: {  	[tilespmem:s25], [sflag:$0x3] =	stream.linear.gather [spmem:s21], $0x2000, $0x38;
	[tilespmem:$0x17E00] =	vst v63  }
0xa1: {  	s24 =	sadd.s32 $0x1, s24;
	_ =	swait.ge [sflag:s23], $0x2000  }
0xa2: {  	p0 =	sne.s32 s24, s9;
	[sflag:s23] =	ssyncset.done $0x0  }
.Ltmp2:
0xa3: {  	[sflag:s23] =	ssyncadd.s32 $0xFFFFE000;
	(pc) =	sbr.rel @p0 .LBB2_1-.Ltmp2, $4  }
0xa4: {  	[hbm4b:s22+s3] =	stream.linear.scatter [tilespmem:s25], [sflag:$0x3], $0x2000, $0x38;
	[tilespmem:$0x17E00] =	vst v63  }
0xa5: {  	_ =	swait.ge [sflag:s23], $0x2000  }
0xa6: {  	[sflag:s23] =	ssyncset.done $0x0  }
0xa7: {  	[sflag:s23] =	ssyncadd.s32 $0xFFFFE000  }
0xa8: {  	_ =	sfence.sel $0x180000  }
0xa9: {  	[bflag:$0x0] =	sbarrier.arrive $0xFFFF  }
0xaa: {  	_ =	strace $0x9000004A  }
0xab: {  	s0 =	stileid.u32;
	[bflag:$0x2] =	sbarrier.arrive $0xFFFF  }
0xac: {  	p0 =	sne.s32 s0, $0x0;
	s0 =	rddreg [dreg:$0x3]  }
0xad: {  	s0 =	sadd.s32 @!p0 $0x100000, s0  }
0xae: {  	[sflag:s0] =	ssyncadd.tile.s32 @!p0 $0x1;
	_ =	shalt  }
.Lfunc_end2:
_tile_overlayer_lowered:
.L_overlay_start_2:
0xaf: {  	(tag) =	ssettag $0x2  }
0xb0: {  	s0 =	rddreg [dreg:$0x0];
	s2 =	stileid.u32  }
0xb1: {  	s1 =	rddreg [dreg:$0x1];
	p0 =	sne.s32 s2, $0x0  }
0xb2: {  	s3 =	rddreg [dreg:$0x2];
	[bflag:$0x3] =	sbarrier.arrive $0xFFFF;
	s2 =	simm.s32 @!p0 $0x1C03  }
0xb3: {  	[timem:s3], [sflag:s2] =	dma.local @!p0 [hbm:s0], s1  }
0xb4: {  	s0 =	simm.s32 @!p0 $0x3  }
0xb5: {  	_ =	swait.ge @!p0 [sflag:s0], s1  }
0xb6: {  	s1 =	ssub.s32 @!p0 $0x0, s1;
	[sflag:s0] =	ssyncset.done @!p0 $0x0  }
0xb7: {  	[sflag:s0] =	ssyncadd.s32 @!p0 s1  }
0xb8: {  	[bflag:$0x3] =	sbarrier.arrive $0xFFFF  }
0xb9: {  	_ =	shalt  }

// kernel: kernel.14.cloned.1.call-start
scs
__scs_entry_jumppad:
0x0: {  	(pc) =	sbr.rel $0x88, $3  }
0x1: {  	(tag) =	ssettag $0x0;
	lr =	simm.s32 $0x1  }
0x2: {  	[smem:$0x3F99] =	sst lr;
	_ =	strace $0xD0000000  }
0x3: {  	_ = 	snop  }
0x4: {  	_ = 	snop  }
0x5: {  	_ = 	snop  }
0x6: {  	_ = 	snop  }
0x7: {  	_ = 	snop  }
__scs_overlays_trampoline_lowered:
0x8: {  	[smem:$0x3FA8] =	sst s0  }
0x9: {  	[smem:$0x3FA9] =	sst s1  }
0xa: {  	[smem:$0x3FAA] =	sst s2  }
0xb: {  	[smem:$0x3FAB] =	sst s3  }
0xc: {  	[smem:$0x3FAC] =	sst s4  }
0xd: {  	[smem:$0x3FAD] =	sst s5  }
0xe: {  	[smem:$0x3FAE] =	sst s6  }
0xf: {  	[smem:$0x3FAF] =	sst s7  }
0x10: {  	[smem:$0x3FB0] =	sst s8  }
0x11: {  	[smem:$0x3FB1] =	sst s9;
	s0 =	simm.s32 @!p0 $0x0  }
0x12: {  	s1 =	sld [smem:$0x3F97];
	s0 =	simm.s32 @p0 $0x1  }
0x13: {  	[smem:$0x3FB2] =	sst s0;
	s0 =	simm.s32 @!p1 $0x0  }
0x14: {  	s2 =	sld [smem:$0x3F96];
	s0 =	simm.s32 @p1 $0x1  }
0x15: {  	[smem:$0x3FB3] =	sst s0;
	s0 =	simm.s32 @!p2 $0x0  }
0x16: {  	s3 =	sld [smem:$0x3FDB];
	s0 =	simm.s32 @p2 $0x1  }
0x17: {  	s4 =	simm.s32 $0x1BF5;
	[smem:$0x3FB5] =	sst s0  }
0x18: {  	s0 =	sld [smem:$0x3F98];
	_ =	swait.ge [sflag:s4], $0x0  }
0x19: {  	s7 =	sld [smem:$0x3F99]  }
0x1a: {  	s8 =	sadd.s32 $0xFFFFE003, lr  }
0x1b: {  	s9 =	sadd.s32 $0xFFFFFEF7, lr;
	s5 =	simm.s32 $0xFFFFFFFF;
	p2 =	slt.u32 s8, $0xFFFFF086  }
0x1c: {  	p1 =	slt.u32 s9, $0xF7A;
	s5 =	simm.s32 @!p2 $0x0  }
0x1d: {  	s5 =	simm.s32 @p1 $0x1;
	p0 =	seq.s32 s7, s2  }
0x1e: {  	s7 =	smul.u32 @!p0 $0xF7A, s2;
	p2 =	seq.s32 @!p0 s5, $0x0  }
0x1f: {  	s9 =	smul.u32 $0xF7A, s1;
	s8 =	simm.s32 @!p0 $0x1BF5;
	p2 =	por !p2, p0  }
0x20: {  	[sflag:s8] =	ssyncset.s32 @!p0 $0xFFFFF086;
	s6 =	sadd.s32 @!p0 s3, s7;
	s7 =	simm.s32 @!p0 $0x108  }
0x21: {  	s3 =	sadd.s32 s3, s9;
	s6 =	sadd.s32 @!p0 $0x88, s6;
	s7 =	simm.s32 @p2 $0x1082  }
0x22: {  	[simem:s7], [sflag:s8] =	dma.local @!p0 [hbm:s6], $0xF7A  }
0x23: {  	s9 =	sor.u32 $0xD0000000, s2;
	s6 =	simm.s32 $0x108;
	_ =	swait.ge @!p0 [sflag:s8], $0x0  }
0x24: {  	s3 =	sadd.s32 $0x88, s3;
	s6 =	simm.s32 @!p1 $0x1082;
	[sflag:s4] =	ssyncset.s32 $0xFFFFF086  }
0x25: {  	[simem:s6], [sflag:s4] =	dma.local [hbm:s3], $0xF7A  }
0x26: {  	[smem:$0x3F99] =	sst s1;
	(tag) =	ssettag s2;
	_ =	strace s9  }
0x27: {  	s1 =	sld [smem:$0x3FA9]  }
0x28: {  	s2 =	sld [smem:$0x3FAA]  }
0x29: {  	s4 =	sld [smem:$0x3FAC]  }
0x2a: {  	p0 =	seq.s32 s5, $0x0;
	s5 =	sld [smem:$0x3FAD]  }
0x2b: {  	s6 =	sld [smem:$0x3FAE]  }
0x2c: {  	s7 =	sld [smem:$0x3FAF]  }
0x2d: {  	s3 =	simm.s32 $0x108;
	s8 =	sld [smem:$0x3FB0]  }
0x2e: {  	s3 =	simm.s32 @!p0 $0x1082;
	s9 =	sld [smem:$0x3FB1]  }
0x2f: {  	lr =	sadd.s32 s0, s3;
	s0 =	sld [smem:$0x3FA8]  }
0x30: {  	s3 =	sld [smem:$0x3FAB]  }
0x31: {  	[smem:$0x3FB4] =	sst s10  }
0x32: {  	s10 =	sld [smem:$0x3FB2];
	_ =	sdelay $0x3  }
0x33: {  	p0 =	seq.s32 s10, $0x1;
	s10 =	sld [smem:$0x3FB4];
	_ =	sdelay $0x3  }
0x34: {  	[smem:$0x3FB4] =	sst s10  }
0x35: {  	s10 =	sld [smem:$0x3FB3];
	_ =	sdelay $0x3  }
0x36: {  	p1 =	seq.s32 s10, $0x1;
	s10 =	sld [smem:$0x3FB4];
	_ =	sdelay $0x3  }
0x37: {  	[smem:$0x3FB4] =	sst s10  }
0x38: {  	s10 =	sld [smem:$0x3FB5]  }
0x39: {  	_ = 	snop;
	(pc) =	sbr.ind lr, $3  }
0x3a: {  	_ = 	snop  }
0x3b: {  	_ = 	snop  }
0x3c: {  	p2 =	seq.s32 s10, $0x1;
	s10 =	sld [smem:$0x3FB4]  }
0x3d: {  	_ =	shalt  }
0x3e: {  	_ =	shalt  }
0x3f: {  	_ =	shalt  }
0x40: {  	_ =	shalt  }
0x41: {  	_ =	shalt  }
0x42: {  	_ =	shalt  }
0x43: {  	_ =	shalt  }
0x44: {  	_ =	shalt  }
0x45: {  	_ =	shalt  }
0x46: {  	_ =	shalt  }
0x47: {  	_ =	shalt  }
0x48: {  	_ =	shalt  }
0x49: {  	_ =	shalt  }
0x4a: {  	_ =	shalt  }
0x4b: {  	_ =	shalt  }
0x4c: {  	_ =	shalt  }
0x4d: {  	_ =	shalt  }
0x4e: {  	_ =	shalt  }
0x4f: {  	_ =	shalt  }
0x50: {  	_ =	shalt  }
0x51: {  	_ =	shalt  }
0x52: {  	_ =	shalt  }
0x53: {  	_ =	shalt  }
0x54: {  	_ =	shalt  }
0x55: {  	_ =	shalt  }
0x56: {  	_ =	shalt  }
0x57: {  	_ =	shalt  }
0x58: {  	_ =	shalt  }
0x59: {  	_ =	shalt  }
0x5a: {  	_ =	shalt  }
0x5b: {  	_ =	shalt  }
0x5c: {  	_ =	shalt  }
0x5d: {  	_ =	shalt  }
0x5e: {  	_ =	shalt  }
0x5f: {  	_ =	shalt  }
0x60: {  	_ =	shalt  }
0x61: {  	_ =	shalt  }
0x62: {  	_ =	shalt  }
0x63: {  	_ =	shalt  }
0x64: {  	_ =	shalt  }
0x65: {  	_ =	shalt  }
0x66: {  	_ =	shalt  }
0x67: {  	_ =	shalt  }
0x68: {  	_ =	shalt  }
0x69: {  	_ =	shalt  }
0x6a: {  	_ =	shalt  }
0x6b: {  	_ =	shalt  }
0x6c: {  	_ =	shalt  }
0x6d: {  	_ =	shalt  }
0x6e: {  	_ =	shalt  }
0x6f: {  	_ =	shalt  }
0x70: {  	_ =	shalt  }
0x71: {  	_ =	shalt  }
0x72: {  	_ =	shalt  }
0x73: {  	_ =	shalt  }
0x74: {  	_ =	shalt  }
0x75: {  	_ =	shalt  }
0x76: {  	_ =	shalt  }
0x77: {  	_ =	shalt  }
0x78: {  	_ =	shalt  }
0x79: {  	_ =	shalt  }
0x7a: {  	_ =	shalt  }
0x7b: {  	_ =	shalt  }
0x7c: {  	_ =	shalt  }
0x7d: {  	_ =	shalt  }
0x7e: {  	_ =	shalt  }
0x7f: {  	_ =	shalt  }
0x80: {  	_ =	shalt  }
0x81: {  	_ =	shalt  }
0x82: {  	_ =	shalt  }
0x83: {  	_ =	shalt  }
0x84: {  	_ =	shalt  }
0x85: {  	_ =	shalt  }
0x86: {  	_ =	shalt  }
0x87: {  	_ =	shalt  }
.Lfunc_end0:
.L_simem_size_0:
called_computation.2_lowered:
.L_overlay_start_0:
0x88: {  	s2 =	sld [smem:$0x3FD9]  }
0x89: {  	s3 =	sld [smem:$0x3FFE];
	_ =	sdelay $0x1  }
0x8a: {  	s1 =	srdreg.scid  }
0x8b: {  	s0 =	sand.u32 $0x1, s1  }
0x8c: {  	s14 =	sshll.u32 s0, $0xA;
	s2 =	sadd.s32 s3, s2  }
0x8d: {  	s2 =	sadd.s32 s2, s14  }
0x8e: {  	[smem:$0x3FC0] =	sst s2  }
0x8f: {  	_ = 	snop  }
0x90: {  	s2 =	sld [smem:$0x3FD0];
	_ =	sdelay $0x2  }
0x91: {  	s15 =	simm.s32 $0xA;
	s4 =	simm.s32 $0x10  }
0x92: {  	[smem:s4], [sflag:s15] =	dma.local [hbm:s2], $0x1  }
0x93: {  	_ =	swait.eq [sflag:s15], $0x1  }
0x94: {  	[sflag:s15] =	ssyncset.done $0x0  }
0x95: {  	[sflag:s15] =	ssyncadd.s32 $0xFFFFFFFF  }
0x96: {  	s16 =	sld [smem:$0x10];
	(tm) =	ssettm $0x1  }
0x97: {  	s17 =	sld [smem:$0x3FFB];
	_ =	sdelay $0x3  }
0x98: {  	_ =	strace s17  }
0x99: {  	s3 =	sld [smem:$0x3FFC];
	_ =	sdelay $0x3  }
0x9a: {  	_ =	strace s3  }
0x9b: {  	s3 =	sld [smem:$0x3FFD];
	_ =	sdelay $0x3  }
0x9c: {  	_ =	strace s3  }
0x9d: {  	_ =	strace $0x8FFFFFFF  }
0x9e: {  	s18 =	sld [smem:$0x3FDB];
	_ =	sdelay $0x1  }
0x9f: {  	s19 =	simm.s32 $_scs_section_size  }
0xa0: {  	s5 =	simm.s32 $_size__tile_overlayer_lowered;
	s6 =	simm.s32 $_tile_overlayer_lowered  }
0xa1: {  	s22 =	simm.s32 $0x1BFF;
	s21 =	sshll.u32 s6, $0x1;
	s3 =	sadd.s32 s19, s18  }
0xa2: {  	s7 =	simm.s32 $0x0;
	s20 =	sshll.u32 s5, $0x1;
	s5 =	sadd.s32 s21, s3  }
0xa3: {  	[timem:s7], [sflag:s22] =	dma.local [hbm:s5], s20  }
0xa4: {  	_ =	swait.ge [sflag:s22], s20  }
0xa5: {  	s4 =	ssub.s32 $0x0, s20;
	[sflag:s22] =	ssyncset.done $0x0  }
0xa6: {  	[sflag:s22] =	ssyncadd.s32 s4;
	_ =	sdelay $0x1  }
0xa7: {  	s23 =	simm.s32 $0x1B8B  }
0xa8: {  	_ =	swait.ge [sflag:s23], $0x1  }
0xa9: {  	[sflag:s23] =	ssyncset.done $0x0  }
0xaa: {  	s25 =	simm.s32 $0x1B8E;
	s24 =	sld [smem:$0x3FFE];
	[sflag:s23] =	ssyncadd.s32 $0xFFFFFFFF  }
0xab: {  	s26 =	simm.s32 $execute0_lowered;
	[smem:$0x3FD2] =	sst s25  }
0xac: {  	s5 =	sshll.u32 s26, $0x1;
	_ =	strace $0x8000004C;
	[dreg:$0x1] =	wrdreg $0xFFFFFFFF  }
0xad: {  	s28 =	simm.s32 $_size_execute0_lowered;
	s3 =	sadd.s32 s3, s5;
	[dreg:$0x0] =	wrdreg $0x0  }
0xae: {  	s5 =	sshll.u32 s28, $0x1;
	[dreg:$0x2] =	wrdreg s3  }
0xaf: {  	[dreg:$0x3] =	wrdreg s5  }
0xb0: {  	[dreg:$0x4] =	wrdreg $0xC0  }
0xb1: {  	_ =	task [dreg:s7], $0x5FFFF  }
0xb2: {  	[dreg:$0x1] =	wrdreg $0xFFFFFFFF  }
0xb3: {  	[dreg:$0x0] =	wrdreg $0x60  }
0xb4: {  	[dreg:$0x2] =	wrdreg s24  }
0xb5: {  	[dreg:$0x3] =	wrdreg s16  }
0xb6: {  	[dreg:$0x4] =	wrdreg $0xDE000  }
0xb7: {  	[dreg:$0x5] =	wrdreg $0x9  }
0xb8: {  	_ =	task.clear_ibuf [dreg:s7], $0x6FFFF;
	_ =	strace $0x9000004C  }
0xb9: {  	s29 =	simm.s32 $0x9;
	_ =	strace $0x8000004E  }
0xba: {  	_ =	swait.ge [sflag:s29], $0x1  }
0xbb: {  	[sflag:s29] =	ssyncadd.s32 $0xFFFFFFFF  }
0xbc: {  	_ =	strace $0x9000004E  }
0xbd: {  	_ =	sfence  }
0xbe: {  	s30 =	sld [smem:$0x0];
	_ =	sdelay $0x2  }
0xbf: {  	s31 =	sshll.u32 s1, $0xD;
	s1 =	sshrl.u32 s1, $0x2  }
0xc0: {  	s3 =	sand.u32 $0x4000, s31;
	s1 =	sadd.s32 s1, s30  }
0xc1: {  	s0 =	sor.u32 s3, s0;
	s1 =	sshll.u32 s1, $0x11  }
0xc2: {  	s0 =	sor.u32 s1, s0  }
0xc3: {  	s0 =	sadd.s32 $0x8F2B, s0  }
0xc4: {  	[sflag:s0] =	ssyncadd.remote.s32 $0x1  }
0xc5: {  	_ =	sfence.sel $0xFFFF  }
0xc6: {  	[dreg:$0x0] =	wrdreg $0xFFFFFFFF;
	(pc) =	sbr.abs _section_cstart, $3  }
0xc7: {  	[dreg:$0x1] =	wrdreg $0xFFFFFFFF  }
0xc8: {  	_ =	task.clear_ibuf [dreg:s7], $0x2FFFF;
	_ =	strace $0x9FFFFFFF  }
0xc9: {  	(tm) =	ssettm $0x7FFFFFFF  }
tec
execute0_lowered:
.L_overlay_start_1:
0x0: {  	(tag) =	ssettag $0x1  }
0x1: {  	s0 =	rddreg [dreg:$0x0];
	s1 =	srdreg.scid  }
0x2: {  	s4 =	rddreg [dreg:$0x1];
	s10 =	stileid.u32  }
0x3: {  	s2 =	rddreg [dreg:$0x2];
	s6 =	smul.u32 $0x9E0, s10  }
0x4: {  	s3 =	simm.s32 $0x0;
	s28 =	simm.s32 $0xBE00;
	s9 =	smul.u32 $0x28000, s10  }
0x5: {  	s29 =	simm.s32 $0x1;
	s1 =	sand.u32 $0x1, s1;
	s19 =	smul.u32 $0xA000, s10  }
0x6: {  	s30 =	simm.s32 $0x2;
	[smem:$0x7FF] =	sst s3;
	s20 =	smul.u32 $0xA0000, s1  }
0x7: {  	_ =	strace $0x8000004D;
	s1 =	ssub.s32 $0x2, s1;
	s18 =	sadd.s32 s6, s0  }
0x8: {  	s8 =	sshrl.u32 s1, $0x1;
	s4 =	sadd.s32 s4, s6;
	s22 =	sshrl.u32 s9, $0x2  }
0x9: {  	s15 =	sadd.s32 $0x2000, s19;
	s17 =	sadd.s32 $0x4000, s19;
	s5 =	sshrl.u32 s20, $0x3  }
0xa: {  	s1 =	ssub.s32 s1, s8;
	[dreg:$0x4] =	wrdreg s4;
	s21 =	sadd.s32 $0x2800, s18  }
0xb: {  	s6 =	sadd.s32 s22, s2;
	s8 =	sadd.s32 s19, s2;
	s23 =	sadd.s32 s20, s19  }
0xc: {  	s16 =	sadd.s32 s20, s15;
	s15 =	sadd.s32 s15, s2;
	s25 =	sadd.s32 s20, s17  }
0xd: {  	s17 =	sadd.s32 s17, s2;
	s22 =	sadd.s32 $0x8000, s19;
	s7 =	sadd.s32 s5, s0  }
0xe: {  	s0 =	sadd.s32 $0x84600, s0;
	[dreg:$0x5] =	wrdreg s21;
	s9 =	smax.u32 s1, $0x1  }
0xf: {  	s10 =	sadd.s32 $0x2000, s6;
	s11 =	sadd.s32 $0x4000, s6;
	s12 =	sadd.s32 $0x6000, s6  }
0x10: {  	s13 =	sadd.s32 $0x8000, s6;
	s1 =	sshrl.u32 s23, $0x3;
	s24 =	sshrl.u32 s16, $0x3  }
0x11: {  	s21 =	sadd.s32 $0x6000, s19;
	s23 =	sadd.s32 s20, s22;
	s7 =	sadd.s32 $0x5C600, s7  }
0x12: {  	s14 =	sadd.s32 s0, s1;
	s16 =	sadd.s32 s0, s24;
	s1 =	sshrl.u32 s25, $0x3  }
0x13: {  	s26 =	sadd.s32 s20, s21;
	s19 =	sadd.s32 s21, s2;
	s21 =	sadd.s32 s22, s2  }
0x14: {  	s31 =	sshrl.u32 s23, $0x3;
	s23 =	simm.s32 $0x3;
	s25 =	simm.s32 $0x9E00  }
0x15: {  	s24 =	simm.s32 $0x0;
	s18 =	sadd.s32 s0, s1;
	s1 =	sshrl.u32 s26, $0x3  }
0x16: {  	v0 =	vimm.f32 $0.0e+00;
	s22 =	sadd.s32 s0, s31;
	s26 =	simm.s32 $0x80;
	s20 =	sadd.s32 s0, s1  }
.LBB2_1:
0x17: {  	s0 =	rddreg [dreg:$0x4]  }
0x18: {  	[tilespmem:s3], [sflag:$0x3] =	stream.linear.gather [hbm4b:s0+s3], $0x4F00, $0x38;
	[tilespmem:$0x17E00] =	vst v63  }
0x19: {  	_ =	swait.ge [sflag:s23], $0x4F00  }
0x1a: {  	[sflag:s23] =	ssyncset.done $0x0  }
0x1b: {  	s1 =	simm.s32 $0x4F00;
	s5 =	rddreg [dreg:$0x5];
	[sflag:s23] =	ssyncadd.s32 $0xFFFFB100  }
0x1c: {  	[tilespmem:s1], [sflag:$0x3] =	stream.linear.gather [hbm4b:s5+s3], $0x4F00, $0x38;
	[tilespmem:$0x17E00] =	vst v63  }
0x1d: {  	s4 =	sand.u32 $0x7F00, s3;
	s31 =	simm.s32 $0x40;
	_ =	swait.ge [sflag:s23], $0x4F00  }
0x1e: {  	s0 =	sshrl.u32 s4, $0x2;
	s5 =	sand.u32 $0x30, s3;
	[sflag:s23] =	ssyncset.done $0x0  }
0x1f: {  	s1 =	sor.u32 s5, s0;
	s0 =	simm.s32 $0x0;
	[sflag:s23] =	ssyncadd.s32 $0xFFFFB100  }
.LBB2_2:
0x20: {  	p0 =	sne.s32 s31, $0x7FC0  }
0x21: {  	[tilespmem:s1+$0x9E00] =	vst v0;
	s0 =	sadd.s32 $0x10, s0;
	s1 =	smov.u32 s31;
	s31 =	sadd.s32 $0x40, s31  }
.Ltmp0:
0x22: {  	(pc) =	sbr.rel @p0 .LBB2_2-.Ltmp0, $4  }
0x23: {  	_ = 	snop  }
0x24: {  	s1 =	sand.u32 $0x7F00, s1  }
0x25: {  	s4 =	sand.u32 $0x30, s0;
	s1 =	sshrl.u32 s1, $0x2  }
0x26: {  	s1 =	sor.u32 s4, s1  }
0x27: {  	[tilespmem:s1+$0x9E00] =	vst v0  }
0x28: {  	[spmem:s6] =	stream.linear.scatter [tilespmem:s25], [sflag:$0x3], $0x2000, $0x38;
	[tilespmem:$0x17E00] =	vst v63  }
0x29: {  	_ =	swait.ge [sflag:s23], $0x2000  }
0x2a: {  	[sflag:s23] =	ssyncset.done $0x0  }
0x2b: {  	[sflag:s23] =	ssyncadd.s32 $0xFFFFE000  }
0x2c: {  	[spmem:s10] =	stream.linear.scatter [tilespmem:s25], [sflag:$0x3], $0x2000, $0x38;
	[tilespmem:$0x17E00] =	vst v63  }
0x2d: {  	_ =	swait.ge [sflag:s23], $0x2000  }
0x2e: {  	[sflag:s23] =	ssyncset.done $0x0  }
0x2f: {  	[sflag:s23] =	ssyncadd.s32 $0xFFFFE000  }
0x30: {  	[spmem:s11] =	stream.linear.scatter [tilespmem:s25], [sflag:$0x3], $0x2000, $0x38;
	[tilespmem:$0x17E00] =	vst v63  }
0x31: {  	_ =	swait.ge [sflag:s23], $0x2000  }
0x32: {  	[sflag:s23] =	ssyncset.done $0x0  }
0x33: {  	[sflag:s23] =	ssyncadd.s32 $0xFFFFE000  }
0x34: {  	[spmem:s12] =	stream.linear.scatter [tilespmem:s25], [sflag:$0x3], $0x2000, $0x38;
	[tilespmem:$0x17E00] =	vst v63  }
0x35: {  	_ =	swait.ge [sflag:s23], $0x2000  }
0x36: {  	[sflag:s23] =	ssyncset.done $0x0  }
0x37: {  	[sflag:s23] =	ssyncadd.s32 $0xFFFFE000  }
0x38: {  	[spmem:s13] =	stream.linear.scatter [tilespmem:s25], [sflag:$0x3], $0x2000, $0x38;
	[tilespmem:$0x17E00] =	vst v63  }
0x39: {  	_ =	swait.ge [sflag:s23], $0x2000  }
0x3a: {  	[sflag:s23] =	ssyncset.done $0x0  }
0x3b: {  	[sflag:s23] =	ssyncadd.s32 $0xFFFFE000  }
0x3c: {  	s0 =	simm.s32 $0x0;
	[bflag:$0x0] =	sbarrier.arrive $0xFFFF  }
0x3d: {  	[tilespmem:s25], [sflag:$0x1] =	stream.indirect.gather [hbm4b:s7+s26], $0x40, s0, s26, $0xb8;
	[tilespmem:$0x17E00] =	vst v63  }
0x3e: {  	s5 =	simm.s32 $0x80  }
0x3f: {  	[tilespmem:s28], [sflag:$0x2] =	stream.indirect.gather [hbm4b:s7+s26], $0x40, s5, s26, $0xb8;
	[tilespmem:$0x17E00] =	vst v63  }
0x40: {  	_ =	swait.ge [sflag:s29], $0x2000  }
0x41: {  	[sflag:s29] =	ssyncset.done $0x0  }
0x42: {  	s1 =	simm.s32 $0x4F00;
	[sflag:s29] =	ssyncadd.s32 $0xFFFFE000  }
0x43: {  	[spmem:s2] =	stream.indirect.scatter.add.f32 [tilespmem:s25], [sflag:$0x3], $0x40, s1, s26, $0xb8;
	[tilespmem:$0x17E00] =	vst v63  }
0x44: {  	_ =	swait.ge [sflag:s23], $0x2000  }
0x45: {  	[sflag:s23] =	ssyncset.done $0x0  }
0x46: {  	s4 =	simm.s32 $0x100;
	[sflag:s23] =	ssyncadd.s32 $0xFFFFE000  }
0x47: {  	[tilespmem:s25], [sflag:$0x1] =	stream.indirect.gather [hbm4b:s7+s26], $0x40, s4, s26, $0xb8;
	[tilespmem:$0x17E00] =	vst v63  }
0x48: {  	_ =	swait.ge [sflag:s30], $0x2000  }
0x49: {  	[sflag:s30] =	ssyncset.done $0x0  }
0x4a: {  	s5 =	simm.s32 $0x4F80;
	[sflag:s30] =	ssyncadd.s32 $0xFFFFE000  }
0x4b: {  	[spmem:s2] =	stream.indirect.scatter.add.f32 [tilespmem:s28], [sflag:$0x3], $0x40, s5, s26, $0xb8;
	[tilespmem:$0x17E00] =	vst v63  }
0x4c: {  	_ =	swait.ge [sflag:s23], $0x2000  }
0x4d: {  	s31 =	simm.s32 $0x100;
	s0 =	simm.s32 $0x800;
	[sflag:s23] =	ssyncset.done $0x0  }
.LBB2_4:
0x4e: {  	s1 =	sadd.s32 $0x80, s31  }
0x4f: {  	[sflag:s23] =	ssyncadd.s32 $0xFFFFE000;
	s4 =	smov.u32 s0;
	s5 =	sadd.s32 $0x400, s0  }
0x50: {  	[tilespmem:s28], [sflag:$0x2] =	stream.indirect.gather [hbm4b:s7+s26], $0x40, s1, s26, $0xb8;
	[tilespmem:$0x17E00] =	vst v63  }
0x51: {  	p0 =	sne.s32 s0, $0x13400;
	_ =	swait.ge [sflag:s29], $0x2000  }
0x52: {  	[sflag:s29] =	ssyncset.done $0x0  }
0x53: {  	s0 =	sadd.s32 $0x4F00, s31;
	[sflag:s29] =	ssyncadd.s32 $0xFFFFE000  }
0x54: {  	[spmem:s2] =	stream.indirect.scatter.add.f32 [tilespmem:s25], [sflag:$0x3], $0x40, s0, s26, $0xb8;
	[tilespmem:$0x17E00] =	vst v63  }
0x55: {  	_ =	swait.ge [sflag:s23], $0x2000  }
0x56: {  	[sflag:s23] =	ssyncset.done $0x0  }
0x57: {  	s0 =	sadd.s32 $0x100, s31;
	[sflag:s23] =	ssyncadd.s32 $0xFFFFE000  }
0x58: {  	[tilespmem:s25], [sflag:$0x1] =	stream.indirect.gather [hbm4b:s7+s26], $0x40, s0, s26, $0xb8;
	[tilespmem:$0x17E00] =	vst v63  }
0x59: {  	_ =	swait.ge [sflag:s30], $0x2000  }
.Ltmp1:
0x5a: {  	[sflag:s30] =	ssyncset.done $0x0;
	(pc) =	sbr.rel @p0 .LBB2_4-.Ltmp1, $4  }
0x5b: {  	s0 =	sadd.s32 $0x4F80, s31;
	[sflag:s30] =	ssyncadd.s32 $0xFFFFE000  }
0x5c: {  	[spmem:s2] =	stream.indirect.scatter.add.f32 [tilespmem:s28], [sflag:$0x3], $0x40, s0, s26, $0xb8;
	[tilespmem:$0x17E00] =	vst v63  }
0x5d: {  	_ =	swait.ge [sflag:s23], $0x2000  }
0x5e: {  	s31 =	sshra.s32 s4, $0x2;
	s0 =	smov.u32 s5;
	[sflag:s23] =	ssyncset.done $0x0  }
0x5f: {  	s0 =	sadd.s32 $0x80, s31;
	[sflag:s23] =	ssyncadd.s32 $0xFFFFE000  }
0x60: {  	[tilespmem:s28], [sflag:$0x2] =	stream.indirect.gather [hbm4b:s7+s26], $0x40, s0, s26, $0xb8;
	[tilespmem:$0x17E00] =	vst v63  }
0x61: {  	_ =	swait.ge [sflag:s29], $0x2000  }
0x62: {  	[sflag:s29] =	ssyncset.done $0x0  }
0x63: {  	s4 =	sadd.s32 $0x4F00, s31;
	[sflag:s29] =	ssyncadd.s32 $0xFFFFE000  }
0x64: {  	[spmem:s2] =	stream.indirect.scatter.add.f32 [tilespmem:s25], [sflag:$0x3], $0x40, s4, s26, $0xb8;
	[tilespmem:$0x17E00] =	vst v63  }
0x65: {  	_ =	swait.ge [sflag:s23], $0x2000  }
0x66: {  	[sflag:s23] =	ssyncset.done $0x0  }
0x67: {  	s5 =	sadd.s32 $0x100, s31;
	[sflag:s23] =	ssyncadd.s32 $0xFFFFE000  }
0x68: {  	[tilespmem:s25], [sflag:$0x1] =	stream.indirect.gather [hbm4b:s7+s26], $0x40, s5, s26, $0xb8;
	[tilespmem:$0x17E00] =	vst v63  }
0x69: {  	_ =	swait.ge [sflag:s30], $0x2000  }
0x6a: {  	[sflag:s30] =	ssyncset.done $0x0  }
0x6b: {  	s1 =	sadd.s32 $0x4F80, s31;
	[sflag:s30] =	ssyncadd.s32 $0xFFFFE000  }
0x6c: {  	[spmem:s2] =	stream.indirect.scatter.add.f32 [tilespmem:s28], [sflag:$0x3], $0x40, s1, s26, $0xb8;
	[tilespmem:$0x17E00] =	vst v63  }
0x6d: {  	_ =	swait.ge [sflag:s23], $0x2000  }
0x6e: {  	[sflag:s23] =	ssyncset.done $0x0  }
0x6f: {  	s4 =	simm.s32 $0x4E80;
	[sflag:s23] =	ssyncadd.s32 $0xFFFFE000  }
0x70: {  	[tilespmem:s28], [sflag:$0x2] =	stream.indirect.gather [hbm4b:s7+s26], $0x40, s4, s26, $0xb8;
	[tilespmem:$0x17E00] =	vst v63  }
0x71: {  	_ =	swait.ge [sflag:s29], $0x2000  }
0x72: {  	[sflag:s29] =	ssyncset.done $0x0  }
0x73: {  	s5 =	simm.s32 $0x9D00;
	[sflag:s29] =	ssyncadd.s32 $0xFFFFE000  }
0x74: {  	[spmem:s2] =	stream.indirect.scatter.add.f32 [tilespmem:s25], [sflag:$0x3], $0x40, s5, s26, $0xb8;
	[tilespmem:$0x17E00] =	vst v63  }
0x75: {  	_ =	swait.ge [sflag:s23], $0x2000  }
0x76: {  	[sflag:s23] =	ssyncset.done $0x0  }
0x77: {  	[sflag:s23] =	ssyncadd.s32 $0xFFFFE000  }
0x78: {  	_ =	swait.ge [sflag:s30], $0x2000  }
0x79: {  	[sflag:s30] =	ssyncset.done $0x0  }
0x7a: {  	s31 =	simm.s32 $0x9D80;
	[sflag:s30] =	ssyncadd.s32 $0xFFFFE000  }
0x7b: {  	[spmem:s2] =	stream.indirect.scatter.add.f32 [tilespmem:s28], [sflag:$0x3], $0x40, s31, s26, $0xb8;
	[tilespmem:$0x17E00] =	vst v63  }
0x7c: {  	_ =	swait.ge [sflag:s23], $0x2000  }
0x7d: {  	[sflag:s23] =	ssyncset.done $0x0  }
0x7e: {  	[sflag:s23] =	ssyncadd.s32 $0xFFFFE000  }
0x7f: {  	[bflag:$0x0] =	sbarrier.arrive $0xFFFF  }
0x80: {  	[tilespmem:s25], [sflag:$0x3] =	stream.linear.gather [spmem:s8], $0x2000, $0x38;
	[tilespmem:$0x17E00] =	vst v63  }
0x81: {  	_ =	swait.ge [sflag:s23], $0x2000  }
0x82: {  	[sflag:s23] =	ssyncset.done $0x0  }
0x83: {  	[sflag:s23] =	ssyncadd.s32 $0xFFFFE000  }
0x84: {  	[hbm4b:s14+s3] =	stream.linear.scatter [tilespmem:s25], [sflag:$0x3], $0x2000, $0x38;
	[tilespmem:$0x17E00] =	vst v63  }
0x85: {  	_ =	swait.ge [sflag:s23], $0x2000  }
0x86: {  	[sflag:s23] =	ssyncset.done $0x0  }
0x87: {  	[sflag:s23] =	ssyncadd.s32 $0xFFFFE000  }
0x88: {  	[tilespmem:s25], [sflag:$0x3] =	stream.linear.gather [spmem:s15], $0x2000, $0x38;
	[tilespmem:$0x17E00] =	vst v63  }
0x89: {  	_ =	swait.ge [sflag:s23], $0x2000  }
0x8a: {  	[sflag:s23] =	ssyncset.done $0x0  }
0x8b: {  	[sflag:s23] =	ssyncadd.s32 $0xFFFFE000  }
0x8c: {  	[hbm4b:s16+s3] =	stream.linear.scatter [tilespmem:s25], [sflag:$0x3], $0x2000, $0x38;
	[tilespmem:$0x17E00] =	vst v63  }
0x8d: {  	_ =	swait.ge [sflag:s23], $0x2000  }
0x8e: {  	[sflag:s23] =	ssyncset.done $0x0  }
0x8f: {  	[sflag:s23] =	ssyncadd.s32 $0xFFFFE000  }
0x90: {  	[tilespmem:s25], [sflag:$0x3] =	stream.linear.gather [spmem:s17], $0x2000, $0x38;
	[tilespmem:$0x17E00] =	vst v63  }
0x91: {  	_ =	swait.ge [sflag:s23], $0x2000  }
0x92: {  	[sflag:s23] =	ssyncset.done $0x0  }
0x93: {  	[sflag:s23] =	ssyncadd.s32 $0xFFFFE000  }
0x94: {  	[hbm4b:s18+s3] =	stream.linear.scatter [tilespmem:s25], [sflag:$0x3], $0x2000, $0x38;
	[tilespmem:$0x17E00] =	vst v63  }
0x95: {  	_ =	swait.ge [sflag:s23], $0x2000  }
0x96: {  	[sflag:s23] =	ssyncset.done $0x0  }
0x97: {  	[sflag:s23] =	ssyncadd.s32 $0xFFFFE000  }
0x98: {  	[tilespmem:s25], [sflag:$0x3] =	stream.linear.gather [spmem:s19], $0x2000, $0x38;
	[tilespmem:$0x17E00] =	vst v63  }
0x99: {  	_ =	swait.ge [sflag:s23], $0x2000  }
0x9a: {  	[sflag:s23] =	ssyncset.done $0x0  }
0x9b: {  	[sflag:s23] =	ssyncadd.s32 $0xFFFFE000  }
0x9c: {  	[hbm4b:s20+s3] =	stream.linear.scatter [tilespmem:s25], [sflag:$0x3], $0x2000, $0x38;
	[tilespmem:$0x17E00] =	vst v63  }
0x9d: {  	_ =	swait.ge [sflag:s23], $0x2000  }
0x9e: {  	[sflag:s23] =	ssyncset.done $0x0  }
0x9f: {  	[sflag:s23] =	ssyncadd.s32 $0xFFFFE000  }
0xa0: {  	[tilespmem:s25], [sflag:$0x3] =	stream.linear.gather [spmem:s21], $0x2000, $0x38;
	[tilespmem:$0x17E00] =	vst v63  }
0xa1: {  	s24 =	sadd.s32 $0x1, s24;
	_ =	swait.ge [sflag:s23], $0x2000  }
0xa2: {  	p0 =	sne.s32 s24, s9;
	[sflag:s23] =	ssyncset.done $0x0  }
.Ltmp2:
0xa3: {  	[sflag:s23] =	ssyncadd.s32 $0xFFFFE000;
	(pc) =	sbr.rel @p0 .LBB2_1-.Ltmp2, $4  }
0xa4: {  	[hbm4b:s22+s3] =	stream.linear.scatter [tilespmem:s25], [sflag:$0x3], $0x2000, $0x38;
	[tilespmem:$0x17E00] =	vst v63  }
0xa5: {  	_ =	swait.ge [sflag:s23], $0x2000  }
0xa6: {  	[sflag:s23] =	ssyncset.done $0x0  }
0xa7: {  	[sflag:s23] =	ssyncadd.s32 $0xFFFFE000  }
0xa8: {  	_ =	sfence.sel $0x180000  }
0xa9: {  	[bflag:$0x0] =	sbarrier.arrive $0xFFFF  }
0xaa: {  	_ =	strace $0x9000004D  }
0xab: {  	s0 =	stileid.u32;
	[bflag:$0x2] =	sbarrier.arrive $0xFFFF  }
0xac: {  	p0 =	sne.s32 s0, $0x0;
	s0 =	rddreg [dreg:$0x3]  }
0xad: {  	s0 =	sadd.s32 @!p0 $0x100000, s0  }
0xae: {  	[sflag:s0] =	ssyncadd.tile.s32 @!p0 $0x1;
	_ =	shalt  }
.Lfunc_end2:
_tile_overlayer_lowered:
.L_overlay_start_2:
0xaf: {  	(tag) =	ssettag $0x2  }
0xb0: {  	s0 =	rddreg [dreg:$0x0];
	s2 =	stileid.u32  }
0xb1: {  	s1 =	rddreg [dreg:$0x1];
	p0 =	sne.s32 s2, $0x0  }
0xb2: {  	s3 =	rddreg [dreg:$0x2];
	[bflag:$0x3] =	sbarrier.arrive $0xFFFF;
	s2 =	simm.s32 @!p0 $0x1C03  }
0xb3: {  	[timem:s3], [sflag:s2] =	dma.local @!p0 [hbm:s0], s1  }
0xb4: {  	s0 =	simm.s32 @!p0 $0x3  }
0xb5: {  	_ =	swait.ge @!p0 [sflag:s0], s1  }
0xb6: {  	s1 =	ssub.s32 @!p0 $0x0, s1;
	[sflag:s0] =	ssyncset.done @!p0 $0x0  }
0xb7: {  	[sflag:s0] =	ssyncadd.s32 @!p0 s1  }
0xb8: {  	[bflag:$0x3] =	sbarrier.arrive $0xFFFF  }
0xb9: {  	_ =	shalt  }

// kernel: kernel.8.cloned.1.call-start
scs
__scs_entry_jumppad:
0x0: {  	(pc) =	sbr.rel $0x88, $3  }
0x1: {  	(tag) =	ssettag $0x0;
	lr =	simm.s32 $0x1  }
0x2: {  	[smem:$0x3F99] =	sst lr;
	_ =	strace $0xD0000000  }
0x3: {  	_ = 	snop  }
0x4: {  	_ = 	snop  }
0x5: {  	_ = 	snop  }
0x6: {  	_ = 	snop  }
0x7: {  	_ = 	snop  }
__scs_overlays_trampoline_lowered:
0x8: {  	[smem:$0x3FA8] =	sst s0  }
0x9: {  	[smem:$0x3FA9] =	sst s1  }
0xa: {  	[smem:$0x3FAA] =	sst s2  }
0xb: {  	[smem:$0x3FAB] =	sst s3  }
0xc: {  	[smem:$0x3FAC] =	sst s4  }
0xd: {  	[smem:$0x3FAD] =	sst s5  }
0xe: {  	[smem:$0x3FAE] =	sst s6  }
0xf: {  	[smem:$0x3FAF] =	sst s7  }
0x10: {  	[smem:$0x3FB0] =	sst s8  }
0x11: {  	[smem:$0x3FB1] =	sst s9;
	s0 =	simm.s32 @!p0 $0x0  }
0x12: {  	s1 =	sld [smem:$0x3F97];
	s0 =	simm.s32 @p0 $0x1  }
0x13: {  	[smem:$0x3FB2] =	sst s0;
	s0 =	simm.s32 @!p1 $0x0  }
0x14: {  	s2 =	sld [smem:$0x3F96];
	s0 =	simm.s32 @p1 $0x1  }
0x15: {  	[smem:$0x3FB3] =	sst s0;
	s0 =	simm.s32 @!p2 $0x0  }
0x16: {  	s3 =	sld [smem:$0x3FDB];
	s0 =	simm.s32 @p2 $0x1  }
0x17: {  	s4 =	simm.s32 $0x1BF5;
	[smem:$0x3FB5] =	sst s0  }
0x18: {  	s0 =	sld [smem:$0x3F98];
	_ =	swait.ge [sflag:s4], $0x0  }
0x19: {  	s7 =	sld [smem:$0x3F99]  }
0x1a: {  	s8 =	sadd.s32 $0xFFFFE003, lr  }
0x1b: {  	s9 =	sadd.s32 $0xFFFFFEF7, lr;
	s5 =	simm.s32 $0xFFFFFFFF;
	p2 =	slt.u32 s8, $0xFFFFF086  }
0x1c: {  	p1 =	slt.u32 s9, $0xF7A;
	s5 =	simm.s32 @!p2 $0x0  }
0x1d: {  	s5 =	simm.s32 @p1 $0x1;
	p0 =	seq.s32 s7, s2  }
0x1e: {  	s7 =	smul.u32 @!p0 $0xF7A, s2;
	p2 =	seq.s32 @!p0 s5, $0x0  }
0x1f: {  	s9 =	smul.u32 $0xF7A, s1;
	s8 =	simm.s32 @!p0 $0x1BF5;
	p2 =	por !p2, p0  }
0x20: {  	[sflag:s8] =	ssyncset.s32 @!p0 $0xFFFFF086;
	s6 =	sadd.s32 @!p0 s3, s7;
	s7 =	simm.s32 @!p0 $0x108  }
0x21: {  	s3 =	sadd.s32 s3, s9;
	s6 =	sadd.s32 @!p0 $0x88, s6;
	s7 =	simm.s32 @p2 $0x1082  }
0x22: {  	[simem:s7], [sflag:s8] =	dma.local @!p0 [hbm:s6], $0xF7A  }
0x23: {  	s9 =	sor.u32 $0xD0000000, s2;
	s6 =	simm.s32 $0x108;
	_ =	swait.ge @!p0 [sflag:s8], $0x0  }
0x24: {  	s3 =	sadd.s32 $0x88, s3;
	s6 =	simm.s32 @!p1 $0x1082;
	[sflag:s4] =	ssyncset.s32 $0xFFFFF086  }
0x25: {  	[simem:s6], [sflag:s4] =	dma.local [hbm:s3], $0xF7A  }
0x26: {  	[smem:$0x3F99] =	sst s1;
	(tag) =	ssettag s2;
	_ =	strace s9  }
0x27: {  	s1 =	sld [smem:$0x3FA9]  }
0x28: {  	s2 =	sld [smem:$0x3FAA]  }
0x29: {  	s4 =	sld [smem:$0x3FAC]  }
0x2a: {  	p0 =	seq.s32 s5, $0x0;
	s5 =	sld [smem:$0x3FAD]  }
0x2b: {  	s6 =	sld [smem:$0x3FAE]  }
0x2c: {  	s7 =	sld [smem:$0x3FAF]  }
0x2d: {  	s3 =	simm.s32 $0x108;
	s8 =	sld [smem:$0x3FB0]  }
0x2e: {  	s3 =	simm.s32 @!p0 $0x1082;
	s9 =	sld [smem:$0x3FB1]  }
0x2f: {  	lr =	sadd.s32 s0, s3;
	s0 =	sld [smem:$0x3FA8]  }
0x30: {  	s3 =	sld [smem:$0x3FAB]  }
0x31: {  	[smem:$0x3FB4] =	sst s10  }
0x32: {  	s10 =	sld [smem:$0x3FB2];
	_ =	sdelay $0x3  }
0x33: {  	p0 =	seq.s32 s10, $0x1;
	s10 =	sld [smem:$0x3FB4];
	_ =	sdelay $0x3  }
0x34: {  	[smem:$0x3FB4] =	sst s10  }
0x35: {  	s10 =	sld [smem:$0x3FB3];
	_ =	sdelay $0x3  }
0x36: {  	p1 =	seq.s32 s10, $0x1;
	s10 =	sld [smem:$0x3FB4];
	_ =	sdelay $0x3  }
0x37: {  	[smem:$0x3FB4] =	sst s10  }
0x38: {  	s10 =	sld [smem:$0x3FB5]  }
0x39: {  	_ = 	snop;
	(pc) =	sbr.ind lr, $3  }
0x3a: {  	_ = 	snop  }
0x3b: {  	_ = 	snop  }
0x3c: {  	p2 =	seq.s32 s10, $0x1;
	s10 =	sld [smem:$0x3FB4]  }
0x3d: {  	_ =	shalt  }
0x3e: {  	_ =	shalt  }
0x3f: {  	_ =	shalt  }
0x40: {  	_ =	shalt  }
0x41: {  	_ =	shalt  }
0x42: {  	_ =	shalt  }
0x43: {  	_ =	shalt  }
0x44: {  	_ =	shalt  }
0x45: {  	_ =	shalt  }
0x46: {  	_ =	shalt  }
0x47: {  	_ =	shalt  }
0x48: {  	_ =	shalt  }
0x49: {  	_ =	shalt  }
0x4a: {  	_ =	shalt  }
0x4b: {  	_ =	shalt  }
0x4c: {  	_ =	shalt  }
0x4d: {  	_ =	shalt  }
0x4e: {  	_ =	shalt  }
0x4f: {  	_ =	shalt  }
0x50: {  	_ =	shalt  }
0x51: {  	_ =	shalt  }
0x52: {  	_ =	shalt  }
0x53: {  	_ =	shalt  }
0x54: {  	_ =	shalt  }
0x55: {  	_ =	shalt  }
0x56: {  	_ =	shalt  }
0x57: {  	_ =	shalt  }
0x58: {  	_ =	shalt  }
0x59: {  	_ =	shalt  }
0x5a: {  	_ =	shalt  }
0x5b: {  	_ =	shalt  }
0x5c: {  	_ =	shalt  }
0x5d: {  	_ =	shalt  }
0x5e: {  	_ =	shalt  }
0x5f: {  	_ =	shalt  }
0x60: {  	_ =	shalt  }
0x61: {  	_ =	shalt  }
0x62: {  	_ =	shalt  }
0x63: {  	_ =	shalt  }
0x64: {  	_ =	shalt  }
0x65: {  	_ =	shalt  }
0x66: {  	_ =	shalt  }
0x67: {  	_ =	shalt  }
0x68: {  	_ =	shalt  }
0x69: {  	_ =	shalt  }
0x6a: {  	_ =	shalt  }
0x6b: {  	_ =	shalt  }
0x6c: {  	_ =	shalt  }
0x6d: {  	_ =	shalt  }
0x6e: {  	_ =	shalt  }
0x6f: {  	_ =	shalt  }
0x70: {  	_ =	shalt  }
0x71: {  	_ =	shalt  }
0x72: {  	_ =	shalt  }
0x73: {  	_ =	shalt  }
0x74: {  	_ =	shalt  }
0x75: {  	_ =	shalt  }
0x76: {  	_ =	shalt  }
0x77: {  	_ =	shalt  }
0x78: {  	_ =	shalt  }
0x79: {  	_ =	shalt  }
0x7a: {  	_ =	shalt  }
0x7b: {  	_ =	shalt  }
0x7c: {  	_ =	shalt  }
0x7d: {  	_ =	shalt  }
0x7e: {  	_ =	shalt  }
0x7f: {  	_ =	shalt  }
0x80: {  	_ =	shalt  }
0x81: {  	_ =	shalt  }
0x82: {  	_ =	shalt  }
0x83: {  	_ =	shalt  }
0x84: {  	_ =	shalt  }
0x85: {  	_ =	shalt  }
0x86: {  	_ =	shalt  }
0x87: {  	_ =	shalt  }
.Lfunc_end0:
.L_simem_size_0:
called_computation_lowered:
.L_overlay_start_0:
0x88: {  	s2 =	sld [smem:$0x3FD9]  }
0x89: {  	s3 =	sld [smem:$0x3FFE];
	_ =	sdelay $0x1  }
0x8a: {  	s1 =	srdreg.scid  }
0x8b: {  	s0 =	sand.u32 $0x1, s1  }
0x8c: {  	s14 =	sshll.u32 s0, $0xA;
	s2 =	sadd.s32 s3, s2  }
0x8d: {  	s2 =	sadd.s32 s2, s14  }
0x8e: {  	[smem:$0x3FC0] =	sst s2  }
0x8f: {  	_ = 	snop  }
0x90: {  	s2 =	sld [smem:$0x3FD0];
	_ =	sdelay $0x2  }
0x91: {  	s15 =	simm.s32 $0xA;
	s4 =	simm.s32 $0x10  }
0x92: {  	[smem:s4], [sflag:s15] =	dma.local [hbm:s2], $0x1  }
0x93: {  	_ =	swait.eq [sflag:s15], $0x1  }
0x94: {  	[sflag:s15] =	ssyncset.done $0x0  }
0x95: {  	[sflag:s15] =	ssyncadd.s32 $0xFFFFFFFF  }
0x96: {  	s16 =	sld [smem:$0x11];
	(tm) =	ssettm $0x1  }
0x97: {  	s17 =	sld [smem:$0x3FFB];
	_ =	sdelay $0x3  }
0x98: {  	_ =	strace s17  }
0x99: {  	s3 =	sld [smem:$0x3FFC];
	_ =	sdelay $0x3  }
0x9a: {  	_ =	strace s3  }
0x9b: {  	s3 =	sld [smem:$0x3FFD];
	_ =	sdelay $0x3  }
0x9c: {  	_ =	strace s3  }
0x9d: {  	_ =	strace $0x8FFFFFFF  }
0x9e: {  	s18 =	sld [smem:$0x3FDB];
	_ =	sdelay $0x1  }
0x9f: {  	s19 =	simm.s32 $_scs_section_size  }
0xa0: {  	s5 =	simm.s32 $_size__tile_overlayer_lowered;
	s6 =	simm.s32 $_tile_overlayer_lowered  }
0xa1: {  	s22 =	simm.s32 $0x1BFF;
	s21 =	sshll.u32 s6, $0x1;
	s3 =	sadd.s32 s19, s18  }
0xa2: {  	s7 =	simm.s32 $0x0;
	s20 =	sshll.u32 s5, $0x1;
	s5 =	sadd.s32 s21, s3  }
0xa3: {  	[timem:s7], [sflag:s22] =	dma.local [hbm:s5], s20  }
0xa4: {  	_ =	swait.ge [sflag:s22], s20  }
0xa5: {  	s4 =	ssub.s32 $0x0, s20;
	[sflag:s22] =	ssyncset.done $0x0  }
0xa6: {  	[sflag:s22] =	ssyncadd.s32 s4;
	_ =	sdelay $0x1  }
0xa7: {  	s23 =	simm.s32 $0x1B8B  }
0xa8: {  	_ =	swait.ge [sflag:s23], $0x1  }
0xa9: {  	[sflag:s23] =	ssyncset.done $0x0  }
0xaa: {  	s25 =	simm.s32 $0x1B8E;
	s24 =	sld [smem:$0x3FFE];
	[sflag:s23] =	ssyncadd.s32 $0xFFFFFFFF  }
0xab: {  	s26 =	simm.s32 $execute0_lowered;
	[smem:$0x3FD2] =	sst s25  }
0xac: {  	s5 =	sshll.u32 s26, $0x1;
	_ =	strace $0x80000046;
	[dreg:$0x1] =	wrdreg $0xFFFFFFFF  }
0xad: {  	s28 =	simm.s32 $_size_execute0_lowered;
	s3 =	sadd.s32 s3, s5;
	[dreg:$0x0] =	wrdreg $0x0  }
0xae: {  	s5 =	sshll.u32 s28, $0x1;
	[dreg:$0x2] =	wrdreg s3  }
0xaf: {  	[dreg:$0x3] =	wrdreg s5  }
0xb0: {  	[dreg:$0x4] =	wrdreg $0xC0  }
0xb1: {  	_ =	task [dreg:s7], $0x5FFFF  }
0xb2: {  	[dreg:$0x1] =	wrdreg $0xFFFFFFFF  }
0xb3: {  	[dreg:$0x0] =	wrdreg $0x60  }
0xb4: {  	[dreg:$0x2] =	wrdreg s16  }
0xb5: {  	[dreg:$0x3] =	wrdreg s24  }
0xb6: {  	[dreg:$0x4] =	wrdreg $0x2B000  }
0xb7: {  	[dreg:$0x5] =	wrdreg $0x9  }
0xb8: {  	_ =	task.clear_ibuf [dreg:s7], $0x6FFFF;
	_ =	strace $0x90000046  }
0xb9: {  	s29 =	simm.s32 $0x9;
	_ =	strace $0x80000048  }
0xba: {  	_ =	swait.ge [sflag:s29], $0x1  }
0xbb: {  	[sflag:s29] =	ssyncadd.s32 $0xFFFFFFFF  }
0xbc: {  	_ =	strace $0x90000048  }
0xbd: {  	_ =	sfence  }
0xbe: {  	s30 =	sld [smem:$0x0];
	_ =	sdelay $0x2  }
0xbf: {  	s31 =	sshll.u32 s1, $0xD;
	s1 =	sshrl.u32 s1, $0x2  }
0xc0: {  	s3 =	sand.u32 $0x4000, s31;
	s1 =	sadd.s32 s1, s30  }
0xc1: {  	s0 =	sor.u32 s3, s0;
	s1 =	sshll.u32 s1, $0x11  }
0xc2: {  	s0 =	sor.u32 s1, s0  }
0xc3: {  	s0 =	sadd.s32 $0x8F2B, s0  }
0xc4: {  	[sflag:s0] =	ssyncadd.remote.s32 $0x1  }
0xc5: {  	_ =	sfence.sel $0xFFFF  }
0xc6: {  	[dreg:$0x0] =	wrdreg $0xFFFFFFFF;
	(pc) =	sbr.abs _section_cstart, $3  }
0xc7: {  	[dreg:$0x1] =	wrdreg $0xFFFFFFFF  }
0xc8: {  	_ =	task.clear_ibuf [dreg:s7], $0x2FFFF;
	_ =	strace $0x9FFFFFFF  }
0xc9: {  	(tm) =	ssettm $0x7FFFFFFF  }
tec
execute0_lowered:
.L_overlay_start_1:
0x0: {  	(tag) =	ssettag $0x1  }
0x1: {  	s4 =	rddreg [dreg:$0x0]  }
0x2: {  	s5 =	rddreg [dreg:$0x1];
	s0 =	srdreg.scid  }
0x3: {  	s2 =	rddreg [dreg:$0x2];
	s1 =	stileid.u32;
	s3 =	simm.s32 $0x0  }
0x4: {  	s11 =	simm.s32 $0x2800;
	s12 =	simm.s32 $0x100;
	s13 =	simm.s32 $0x0  }
0x5: {  	s6 =	sand.u32 $0x1, s0;
	s0 =	rddreg [dreg:$0x3];
	s7 =	smul.u32 $0x500, s1  }
0x6: {  	[smem:$0x7FF] =	sst s3;
	s29 =	smul.u32 $0xA00, s1;
	s8 =	sshll.u32 s6, $0x4  }
0x7: {  	s9 =	sshll.u32 s6, $0x7;
	s6 =	ssub.s32 $0x2, s6;
	_ =	strace $0x80000047  }
0x8: {  	s8 =	sor.u32 s1, s8;
	s7 =	sor.u32 s9, s7;
	s30 =	sshrl.u32 s6, $0x1  }
0x9: {  	s31 =	sshrl.u32 s29, $0x2;
	s8 =	smul.u32 $0x500, s8;
	s7 =	sshrl.u32 s7, $0x3  }
0xa: {  	s9 =	simm.s32 $0x2880;
	s10 =	ssub.s32 s6, s30;
	s7 =	sadd.s32 s7, s5  }
0xb: {  	s5 =	sadd.s32 s31, s2;
	s4 =	sadd.s32 s4, s8;
	s6 =	sadd.s32 $0x1E00, s7  }
0xc: {  	v0 =	vimm.f32 $1.000000000e+00;
	v1 =	vimm.f32 $0.0e+00;
	s7 =	smax.u32 s10, $0x1;
	s8 =	simm.s32 $0x1;
	s10 =	simm.s32 $0x80  }
.LBB2_1:
0xd: {  	[tilespmem:s3], [sflag:$0x1] =	stream.linear.gather [hbm4b:s4+s3], $0x2800, $0x38;
	[tilespmem:$0x2D80] =	vst v63  }
0xe: {  	_ =	swait.ge [sflag:s8], $0x2800  }
0xf: {  	[sflag:s8] =	ssyncset.done $0x0  }
0x10: {  	[sflag:s8] =	ssyncadd.s32 $0xFFFFD800  }
0x11: {  	[tilespmem:$0x2800] =	vst v0  }
0x12: {  	[tilespmem:$0x2810] =	vst v0  }
0x13: {  	[tilespmem:$0x2820] =	vst v0  }
0x14: {  	[tilespmem:$0x2830] =	vst v0  }
0x15: {  	[tilespmem:$0x2840] =	vst v0  }
0x16: {  	[tilespmem:$0x2850] =	vst v0  }
0x17: {  	[tilespmem:$0x2860] =	vst v0  }
0x18: {  	[tilespmem:$0x2870] =	vst v0  }
0x19: {  	[tilespmem:$0x2880] =	vst v1  }
0x1a: {  	[tilespmem:$0x2890] =	vst v1  }
0x1b: {  	[tilespmem:$0x28A0] =	vst v1  }
0x1c: {  	[tilespmem:$0x28B0] =	vst v1  }
0x1d: {  	[tilespmem:$0x28C0] =	vst v1  }
0x1e: {  	[tilespmem:$0x28D0] =	vst v1  }
0x1f: {  	[tilespmem:$0x28E0] =	vst v1  }
0x20: {  	[tilespmem:$0x28F0] =	vst v1  }
0x21: {  	[tilespmem:$0x2900] =	vst v1  }
0x22: {  	[tilespmem:$0x2910] =	vst v1  }
0x23: {  	[tilespmem:$0x2920] =	vst v1  }
0x24: {  	[tilespmem:$0x2930] =	vst v1  }
0x25: {  	[tilespmem:$0x2940] =	vst v1  }
0x26: {  	[tilespmem:$0x2950] =	vst v1  }
0x27: {  	[tilespmem:$0x2960] =	vst v1  }
0x28: {  	[tilespmem:$0x2970] =	vst v1  }
0x29: {  	[tilespmem:$0x2980] =	vst v1  }
0x2a: {  	[tilespmem:$0x2990] =	vst v1  }
0x2b: {  	[tilespmem:$0x29A0] =	vst v1  }
0x2c: {  	[tilespmem:$0x29B0] =	vst v1  }
0x2d: {  	[tilespmem:$0x29C0] =	vst v1  }
0x2e: {  	[tilespmem:$0x29D0] =	vst v1  }
0x2f: {  	[tilespmem:$0x29E0] =	vst v1  }
0x30: {  	[tilespmem:$0x29F0] =	vst v1  }
0x31: {  	[tilespmem:$0x2A00] =	vst v1  }
0x32: {  	[tilespmem:$0x2A10] =	vst v1  }
0x33: {  	[tilespmem:$0x2A20] =	vst v1  }
0x34: {  	[tilespmem:$0x2A30] =	vst v1  }
0x35: {  	[tilespmem:$0x2A40] =	vst v1  }
0x36: {  	[tilespmem:$0x2A50] =	vst v1  }
0x37: {  	[tilespmem:$0x2A60] =	vst v1  }
0x38: {  	[tilespmem:$0x2A70] =	vst v1  }
0x39: {  	[tilespmem:$0x2A80] =	vst v1  }
0x3a: {  	[tilespmem:$0x2A90] =	vst v1  }
0x3b: {  	[tilespmem:$0x2AA0] =	vst v1  }
0x3c: {  	[tilespmem:$0x2AB0] =	vst v1  }
0x3d: {  	[tilespmem:$0x2AC0] =	vst v1  }
0x3e: {  	[tilespmem:$0x2AD0] =	vst v1  }
0x3f: {  	[tilespmem:$0x2AE0] =	vst v1  }
0x40: {  	[tilespmem:$0x2AF0] =	vst v1  }
0x41: {  	[spmem:s5] =	stream.linear.scatter [tilespmem:s9], [sflag:$0x1], $0x280, $0x38;
	[tilespmem:$0x2D80] =	vst v63  }
0x42: {  	_ =	swait.ge [sflag:s8], $0x280  }
0x43: {  	[sflag:s8] =	ssyncset.done $0x0  }
0x44: {  	[sflag:s8] =	ssyncadd.s32 $0xFFFFFD80  }
0x45: {  	s14 =	simm.s32 $0x0;
	[bflag:$0x0] =	sbarrier.arrive $0xFFFF  }
0x46: {  	[spmem:s2] =	stream.indirect.scatter.add.f32 [tilespmem:s11], [sflag:$0x1], $0x1, s14, s10, $0xb8;
	[tilespmem:$0x2D80] =	vst v63  }
0x47: {  	_ =	swait.ge [sflag:s8], $0x80  }
0x48: {  	s14 =	simm.s32 $0x200;
	[sflag:s8] =	ssyncset.done $0x0  }
.LBB2_2:
0x49: {  	s15 =	sshra.s32 s14, $0x2;
	[sflag:s8] =	ssyncadd.s32 $0xFFFFFF80;
	p0 =	sne.s32 s14, $0x9E00  }
0x4a: {  	[spmem:s2] =	stream.indirect.scatter.add.f32 [tilespmem:s11], [sflag:$0x1], $0x1, s15, s10, $0xb8;
	[tilespmem:$0x2D80] =	vst v63  }
.Ltmp0:
0x4b: {  	_ = 	snop;
	(pc) =	sbr.rel @p0 .LBB2_2-.Ltmp0, $4  }
0x4c: {  	_ = 	snop  }
0x4d: {  	s14 =	sadd.s32 $0x200, s14  }
0x4e: {  	_ =	swait.ge [sflag:s8], $0x80  }
0x4f: {  	[sflag:s8] =	ssyncset.done $0x0  }
0x50: {  	[sflag:s8] =	ssyncadd.s32 $0xFFFFFF80  }
0x51: {  	[bflag:$0x0] =	sbarrier.arrive $0xFFFF  }
0x52: {  	[tilespmem:s9], [sflag:$0x1] =	stream.linear.gather [spmem:s5], $0x280, $0x38;
	[tilespmem:$0x2D80] =	vst v63  }
0x53: {  	s13 =	sadd.s32 $0x1, s13;
	_ =	swait.ge [sflag:s8], $0x280  }
0x54: {  	p0 =	sne.s32 s13, s7;
	[sflag:s8] =	ssyncset.done $0x0  }
.Ltmp1:
0x55: {  	[sflag:s8] =	ssyncadd.s32 $0xFFFFFD80;
	(pc) =	sbr.rel @p0 .LBB2_1-.Ltmp1, $4  }
0x56: {  	[hbm4b:s6+s10] =	stream.strided.scatter [tilespmem:s9], [sflag:$0x1], $0x280, s12, s10, $0x38;
	[tilespmem:$0x2D80] =	vst v63  }
0x57: {  	_ =	swait.ge [sflag:s8], $0x280  }
0x58: {  	[sflag:s8] =	ssyncset.done $0x0  }
0x59: {  	[sflag:s8] =	ssyncadd.s32 $0xFFFFFD80  }
0x5a: {  	_ =	sfence.sel $0x180000  }
0x5b: {  	[bflag:$0x0] =	sbarrier.arrive $0xFFFF  }
0x5c: {  	p0 =	sne.s32 s1, $0x0;
	_ =	strace $0x90000047  }
0x5d: {  	s0 =	sadd.s32 @!p0 $0x100000, s0;
	[bflag:$0x2] =	sbarrier.arrive $0xFFFF  }
0x5e: {  	[sflag:s0] =	ssyncadd.tile.s32 @!p0 $0x1;
	_ =	shalt  }
.Lfunc_end2:
_tile_overlayer_lowered:
.L_overlay_start_2:
0x5f: {  	(tag) =	ssettag $0x2  }
0x60: {  	s0 =	rddreg [dreg:$0x0];
	s2 =	stileid.u32  }
0x61: {  	s1 =	rddreg [dreg:$0x1];
	p0 =	sne.s32 s2, $0x0  }
0x62: {  	s3 =	rddreg [dreg:$0x2];
	[bflag:$0x3] =	sbarrier.arrive $0xFFFF;
	s2 =	simm.s32 @!p0 $0x1C01  }
0x63: {  	[timem:s3], [sflag:s2] =	dma.local @!p0 [hbm:s0], s1  }
0x64: {  	s0 =	simm.s32 @!p0 $0x1  }
0x65: {  	_ =	swait.ge @!p0 [sflag:s0], s1  }
0x66: {  	s1 =	ssub.s32 @!p0 $0x0, s1;
	[sflag:s0] =	ssyncset.done @!p0 $0x0  }
0x67: {  	[sflag:s0] =	ssyncadd.s32 @!p0 s1  }
0x68: {  	[bflag:$0x3] =	sbarrier.arrive $0xFFFF  }
0x69: {  	_ =	shalt  }

</sc_bundles>
